<compile_context>
chip_gen: v7x
topology: tpu7x:2x2x1
jax: 0.10.2.dev20260603
libtpu: 0.0.44.dev20260713+nightly
codegen_flags: <defaults>
</compile_context>

<pallas_src>
import functools

import jax
import jax.numpy as jnp
from jax import lax
from jax.experimental import pallas as pl
from jax.experimental.pallas import tpu as pltpu
from jax.experimental.pallas import tpu_sc as plsc

_TMP = 0.1
_FMP = 0.1
_NC = 2
_NS = 16
_RB = 8
_B = 64
_Fd = 128
_T = 4000
_TLEN = int(_T * _TMP)
_FLEN = int(_Fd * _FMP)
_CHUNKS_PER_BATCH = _Fd // _RB
_BATCH_PER_W = _B // (_NC * _NS)
_NCH = _BATCH_PER_W * _CHUNKS_PER_BATCH


def _zero16(buf, cur, j, start):
    buf[cur, j, pl.ds(start, 16)] = jnp.zeros((16,), jnp.float32)


def _mask_chunk(buf, cur, c, wid, t0_s, f0_s):
    bb = 2 * wid + lax.div(c, _CHUNKS_PER_BATCH)
    r0 = lax.rem(c, _CHUNKS_PER_BATCH) * _RB
    t0b = t0_s[pl.ds(bb, 16)][0]
    f0b = f0_s[pl.ds(bb, 16)][0]
    lo = lax.div(t0b, 16) * 16
    hi = lax.div(t0b + _TLEN, 16) * 16
    nmid = lax.div(hi - lo, 16) - 1
    col = jax.lax.broadcasted_iota(jnp.int32, (16,), 0)

    def row_body(j, _):
        v = buf[cur, j, pl.ds(lo, 16)]
        m = ((col + lo) >= t0b) & ((col + lo) < t0b + _TLEN)
        buf[cur, j, pl.ds(lo, 16)] = jnp.where(m, jnp.float32(0.0), v)

        def mid_body(k, _):
            _zero16(buf, cur, j, lo + 16 + 16 * k)
            return ()

        lax.fori_loop(0, nmid, mid_body, (), unroll=False)

        @pl.when(hi < _T)
        def _edge2():
            v2 = buf[cur, j, pl.ds(hi, 16)]
            m2 = ((col + hi) >= t0b) & ((col + hi) < t0b + _TLEN)
            buf[cur, j, pl.ds(hi, 16)] = jnp.where(m2, jnp.float32(0.0), v2)

        grow = r0 + j

        @pl.when((grow >= f0b) & (grow < f0b + _FLEN))
        def _frow():
            def z_body(k, _):
                _zero16(buf, cur, j, 16 * k)
                return ()

            lax.fori_loop(0, _T // 16, z_body, (), unroll=False)

        return ()

    lax.fori_loop(0, _RB, row_body, (), unroll=False)
    return bb, r0


def _sc_body(x_hbm, t0_hbm, f0_hbm, out_hbm, buf, t0_s, f0_s,
             insem0, insem1, outsem0, outsem1):
    wid = lax.axis_index("s") * _NC + lax.axis_index("c")
    pltpu.sync_copy(t0_hbm, t0_s)
    pltpu.sync_copy(f0_hbm, f0_s)

    def src(c):
        bb = 2 * wid + lax.div(c, _CHUNKS_PER_BATCH)
        r0 = lax.rem(c, _CHUNKS_PER_BATCH) * _RB
        return x_hbm.at[bb, pl.ds(r0, _RB)]

    def dst(c):
        bb = 2 * wid + lax.div(c, _CHUNKS_PER_BATCH)
        r0 = lax.rem(c, _CHUNKS_PER_BATCH) * _RB
        return out_hbm.at[bb, pl.ds(r0, _RB)]

    pltpu.make_async_copy(src(0), buf.at[0], insem0).start()

    def process(c, cur, insem_cur, insem_nxt, outsem_cur, outsem_nxt, nxt):
        @pl.when(c + 1 < _NCH)
        def _prefetch():
            @pl.when(c >= 1)
            def _free():
                pltpu.make_async_copy(buf.at[nxt], dst(c - 1), outsem_nxt).wait()

            pltpu.make_async_copy(src(c + 1), buf.at[nxt], insem_nxt).start()

        pltpu.make_async_copy(src(c), buf.at[cur], insem_cur).wait()
        _mask_chunk(buf, cur, c, wid, t0_s, f0_s)
        pltpu.make_async_copy(buf.at[cur], dst(c), outsem_cur).start()

    def g_body(g, _):
        c0 = 2 * g
        process(c0, 0, insem0, insem1, outsem0, outsem1, 1)
        process(c0 + 1, 1, insem1, insem0, outsem1, outsem0, 0)
        return ()

    lax.fori_loop(0, _NCH // 2, g_body, (), unroll=False)
    pltpu.make_async_copy(buf.at[0], dst(_NCH - 2), outsem0).wait()
    pltpu.make_async_copy(buf.at[1], dst(_NCH - 1), outsem1).wait()


def kernel(spec):
    B, C, Fd, T = spec.shape
    tlen = int(T * _TMP)
    flen = int(Fd * _FMP)
    t0 = jax.random.randint(
        jax.random.fold_in(jax.random.key(1), 0), (B,), 0, max(1, T - tlen + 1)
    ).astype(jnp.int32)
    f0 = jax.random.randint(
        jax.random.fold_in(jax.random.key(1), 1), (B,), 0, max(1, Fd - flen + 1)
    ).astype(jnp.int32)

    t0 = jnp.pad(t0, (0, 16))
    f0 = jnp.pad(f0, (0, 16))

    x = spec.reshape(B, Fd, T)
    mesh = plsc.VectorSubcoreMesh(core_axis_name="c", subcore_axis_name="s")
    run = functools.partial(
        pl.kernel,
        out_type=jax.ShapeDtypeStruct((B, Fd, T), spec.dtype),
        mesh=mesh,
        compiler_params=pltpu.CompilerParams(use_tc_tiling_on_sc=True),
        scratch_types=[
            pltpu.VMEM((2, _RB, T), spec.dtype),
            pltpu.VMEM((B + 16,), jnp.int32),
            pltpu.VMEM((B + 16,), jnp.int32),
            pltpu.SemaphoreType.DMA,
            pltpu.SemaphoreType.DMA,
            pltpu.SemaphoreType.DMA,
            pltpu.SemaphoreType.DMA,
        ],
    )(_sc_body)
    out = run(x, t0, f0)
    return out.reshape(B, C, Fd, T)

# --- scband reference (transcript-rebuilt; emitter-appended) ---
"""Pipeline reference for scband-spec-aug-18184891531451 (READ-ONLY COPY).

The authoritative reference and input builder live on the scoring server;
editing this copy changes nothing except your own understanding.
"""

import jax, jax.numpy as jnp
import numpy as np

TMP = 0.1
FMP = 0.1


def setup_inputs(seed: int = 0) -> dict:
    key = jax.random.key(seed)
    spec = jax.random.normal(key, (64, 1, 128, 4000), dtype=jnp.float32)
    return {"spec": spec}


def reference(spec):
    B, C, Fd, T = spec.shape
    tlen = int(T * TMP)
    flen = int(Fd * FMP)
    out = spec
    if tlen > 0:
        kt = jax.random.fold_in(jax.random.key(1), 0)
        t0 = jax.random.randint(kt, (B,), 0, max(1, T - tlen + 1))
        tidx = jnp.arange(T)[None, :]
        tmask = (tidx >= t0[:, None]) & (tidx < (t0 + tlen)[:, None])
        out = jnp.where(tmask[:, None, None, :], jnp.float32(0.0), out)
    if flen > 0:
        kf = jax.random.fold_in(jax.random.key(1), 1)
        f0 = jax.random.randint(kf, (B,), 0, max(1, Fd - flen + 1))
        fidx = jnp.arange(Fd)[None, :]
        fmask = (fidx >= f0[:, None]) & (fidx < (f0 + flen)[:, None])
        out = jnp.where(fmask[:, None, :, None], jnp.float32(0.0), out)
    return out

if __name__ == "__main__":
    import jax
    _d = setup_inputs()
    print(jax.jit(kernel)(*tuple(_d.values())))

</pallas_src>

<mosaic_0001>
#map = affine_map<(d0, d1) -> (0, 0, 0)>
#map1 = affine_map<(d0, d1) -> (0)>
module attributes {stable_mosaic.version = 14 : i64} {
  func.func @_sc_body(%arg0: i32, %arg1: i32, %arg2: memref<64x128x4000xf32, #tpu.memory_space<hbm>>, %arg3: memref<80xi32, #tpu.memory_space<hbm>>, %arg4: memref<80xi32, #tpu.memory_space<hbm>>, %arg5: memref<64x128x4000xf32, #tpu.memory_space<hbm>>, %arg6: memref<2x8x4000xf32, #tpu.memory_space<vmem>>, %arg7: memref<80xi32, #tpu.memory_space<vmem>>, %arg8: memref<80xi32, #tpu.memory_space<vmem>>, %arg9: memref<!tpu.dma_semaphore, #tpu.memory_space<semaphore_mem>>, %arg10: memref<!tpu.dma_semaphore, #tpu.memory_space<semaphore_mem>>, %arg11: memref<!tpu.dma_semaphore, #tpu.memory_space<semaphore_mem>>, %arg12: memref<!tpu.dma_semaphore, #tpu.memory_space<semaphore_mem>>) attributes {dimension_semantics = [#tpu.dimension_semantics<core_parallel>, #tpu.dimension_semantics<subcore_parallel>], iteration_bounds = array<i64: 2, 16>, scalar_prefetch = 0 : i64, scratch_operands = 7 : i64, tpu.core_type = #tpu.core_type<sc_vector_subcore>, window_params = [{transform_indices = #map}, {transform_indices = #map1}, {transform_indices = #map1}, {transform_indices = #map}]} {
    %mul3A = arith.constant 2 : i32
    %mul3A_0 = arith.muli %arg1, %mul3A : i32
    %add3A = arith.addi %mul3A_0, %arg0 : i32
    "tpu.region"() ({
      %run_scoped3A = tpu.sem_alloc : memref<!tpu.dma_semaphore, #tpu.memory_space<semaphore_mem>>
      tpu.enqueue_dma source(%arg3 : memref<80xi32, #tpu.memory_space<hbm>>) target(%arg7 : memref<80xi32, #tpu.memory_space<vmem>>) target_semaphore(%run_scoped3A : memref<!tpu.dma_semaphore, #tpu.memory_space<semaphore_mem>>)
      tpu.wait_dma2 semaphore(%run_scoped3A : memref<!tpu.dma_semaphore, #tpu.memory_space<semaphore_mem>>) src(%arg3 : memref<80xi32, #tpu.memory_space<hbm>>) dst(%arg7 : memref<80xi32, #tpu.memory_space<vmem>>)
      tpu.yield
    }) : () -> ()
    "tpu.region"() ({
      %run_scoped3A = tpu.sem_alloc : memref<!tpu.dma_semaphore, #tpu.memory_space<semaphore_mem>>
      tpu.enqueue_dma source(%arg4 : memref<80xi32, #tpu.memory_space<hbm>>) target(%arg8 : memref<80xi32, #tpu.memory_space<vmem>>) target_semaphore(%run_scoped3A : memref<!tpu.dma_semaphore, #tpu.memory_space<semaphore_mem>>)
      tpu.wait_dma2 semaphore(%run_scoped3A : memref<!tpu.dma_semaphore, #tpu.memory_space<semaphore_mem>>) src(%arg4 : memref<80xi32, #tpu.memory_space<hbm>>) dst(%arg8 : memref<80xi32, #tpu.memory_space<vmem>>)
      tpu.yield
    }) : () -> ()
    %mul3A_1 = arith.constant 2 : i32
    %mul3A_2 = arith.muli %mul3A_1, %add3A : i32
    %div3A = arith.constant 0 : i32
    %div3A_3 = arith.constant 16 : i32
    %div3A_4 = arith.divsi %div3A, %div3A_3 : i32
    %add3A_5 = arith.addi %mul3A_2, %div3A_4 : i32
    %rem3A = arith.constant 0 : i32
    %rem3A_6 = arith.constant 16 : i32
    %rem3A_7 = arith.remsi %rem3A, %rem3A_6 : i32
    %mul3A_8 = arith.constant 8 : i32
    %mul3A_9 = arith.muli %rem3A_7, %mul3A_8 : i32
    %dma_start3A = arith.constant 0 : i32
    %dma_start3A_10 = arith.constant 0 : i32
    %dma_start3A_11 = arith.constant 0 : i32
    %dma_start3A_12 = tpu.memref_slice %arg6[%dma_start3A, %dma_start3A_10, %dma_start3A_11] : memref<2x8x4000xf32, #tpu.memory_space<vmem>> -> memref<1x8x4000xf32, #tpu.memory_space<vmem>>
    %dma_start3A_13 = tpu.memref_squeeze %dma_start3A_12 : memref<1x8x4000xf32, #tpu.memory_space<vmem>> -> memref<8x4000xf32, #tpu.memory_space<vmem>>
    %dma_start3A_14 = arith.constant 0 : i32
    %dma_start3A_15 = tpu.memref_slice %arg2[%add3A_5, %mul3A_9, %dma_start3A_14] : memref<64x128x4000xf32, #tpu.memory_space<hbm>> -> memref<1x8x4000xf32, #tpu.memory_space<hbm>>
    %dma_start3A_16 = tpu.memref_squeeze %dma_start3A_15 : memref<1x8x4000xf32, #tpu.memory_space<hbm>> -> memref<8x4000xf32, #tpu.memory_space<hbm>>
    %dma_start3A_17 = arith.constant 0 : i32
    %dma_start3A_18 = arith.constant 0 : i32
    %dma_start3A_19 = tpu.memref_slice %arg6[%dma_start3A, %dma_start3A_17, %dma_start3A_18] : memref<2x8x4000xf32, #tpu.memory_space<vmem>> -> memref<1x8x4000xf32, #tpu.memory_space<vmem>>
    %dma_start3A_20 = tpu.memref_squeeze %dma_start3A_19 : memref<1x8x4000xf32, #tpu.memory_space<vmem>> -> memref<8x4000xf32, #tpu.memory_space<vmem>>
    %dma_start3A_21 = arith.constant 0 : i32
    %dma_start3A_22 = tpu.memref_slice %arg2[%add3A_5, %mul3A_9, %dma_start3A_21] : memref<64x128x4000xf32, #tpu.memory_space<hbm>> -> memref<1x8x4000xf32, #tpu.memory_space<hbm>>
    %dma_start3A_23 = tpu.memref_squeeze %dma_start3A_22 : memref<1x8x4000xf32, #tpu.memory_space<hbm>> -> memref<8x4000xf32, #tpu.memory_space<hbm>>
    tpu.enqueue_dma source(%dma_start3A_23 : memref<8x4000xf32, #tpu.memory_space<hbm>>) target(%dma_start3A_20 : memref<8x4000xf32, #tpu.memory_space<vmem>>) target_semaphore(%arg9 : memref<!tpu.dma_semaphore, #tpu.memory_space<semaphore_mem>>)
    %scan3A = arith.constant 0 : i32
    %scan3A_24 = arith.constant 16 : i32
    %scan3A_25 = arith.addi %scan3A, %scan3A_24 : i32
    %scan3A_26 = arith.constant 1 : i32
    scf.for %scan3A_79 = %scan3A to %scan3A_25 step %scan3A_26  : i32 {
      %mul3A_80 = arith.constant 2 : i32
      %mul3A_81 = arith.muli %mul3A_80, %scan3A_79 : i32
      %add3A_82 = arith.constant 1 : i32
      %add3A_83 = arith.addi %mul3A_81, %add3A_82 : i32
      %lt3A = arith.constant 32 : i32
      %lt3A_84 = arith.cmpi slt, %add3A_83, %lt3A : i32
      %convert_element_type3A = arith.extui %lt3A_84 : i1 to i32
      %cond3A = arith.constant 0 : i32
      %cond3A_85 = arith.cmpi ne, %convert_element_type3A, %cond3A : i32
      scf.if %cond3A_85 {
        %ge3A = arith.constant 1 : i32
        %ge3A_266 = arith.cmpi sge, %mul3A_81, %ge3A : i32
        %convert_element_type3A_267 = arith.extui %ge3A_266 : i1 to i32
        %cond3A_268 = arith.constant 0 : i32
        %cond3A_269 = arith.cmpi ne, %convert_element_type3A_267, %cond3A_268 : i32
        scf.if %cond3A_269 {
          %sub3A_296 = arith.constant 1 : i32
          %sub3A_297 = arith.subi %mul3A_81, %sub3A_296 : i32
          %mul3A_298 = arith.constant 2 : i32
          %mul3A_299 = arith.muli %mul3A_298, %add3A : i32
          %div3A_300 = arith.constant 16 : i32
          %div3A_301 = arith.divsi %sub3A_297, %div3A_300 : i32
          %add3A_302 = arith.addi %mul3A_299, %div3A_301 : i32
          %rem3A_303 = arith.constant 16 : i32
          %rem3A_304 = arith.remsi %sub3A_297, %rem3A_303 : i32
          %mul3A_305 = arith.constant 8 : i32
          %mul3A_306 = arith.muli %rem3A_304, %mul3A_305 : i32
          %dma_wait3A_307 = arith.constant 1 : i32
          %dma_wait3A_308 = arith.constant 0 : i32
          %dma_wait3A_309 = arith.constant 0 : i32
          %dma_wait3A_310 = tpu.memref_slice %arg6[%dma_wait3A_307, %dma_wait3A_308, %dma_wait3A_309] : memref<2x8x4000xf32, #tpu.memory_space<vmem>> -> memref<1x8x4000xf32, #tpu.memory_space<vmem>>
          %dma_wait3A_311 = tpu.memref_squeeze %dma_wait3A_310 : memref<1x8x4000xf32, #tpu.memory_space<vmem>> -> memref<8x4000xf32, #tpu.memory_space<vmem>>
          %dma_wait3A_312 = arith.constant 0 : i32
          %dma_wait3A_313 = tpu.memref_slice %arg5[%add3A_302, %mul3A_306, %dma_wait3A_312] : memref<64x128x4000xf32, #tpu.memory_space<hbm>> -> memref<1x8x4000xf32, #tpu.memory_space<hbm>>
          %dma_wait3A_314 = tpu.memref_squeeze %dma_wait3A_313 : memref<1x8x4000xf32, #tpu.memory_space<hbm>> -> memref<8x4000xf32, #tpu.memory_space<hbm>>
          %dma_wait3A_315 = arith.constant 0 : i32
          %dma_wait3A_316 = tpu.memref_slice %arg5[%add3A_302, %mul3A_306, %dma_wait3A_315] : memref<64x128x4000xf32, #tpu.memory_space<hbm>> -> memref<1x8x4000xf32, #tpu.memory_space<hbm>>
          %dma_wait3A_317 = tpu.memref_squeeze %dma_wait3A_316 : memref<1x8x4000xf32, #tpu.memory_space<hbm>> -> memref<8x4000xf32, #tpu.memory_space<hbm>>
          %dma_wait3A_318 = arith.constant 0 : i32
          %dma_wait3A_319 = arith.constant 0 : i32
          %dma_wait3A_320 = tpu.memref_slice %arg6[%dma_wait3A_307, %dma_wait3A_318, %dma_wait3A_319] : memref<2x8x4000xf32, #tpu.memory_space<vmem>> -> memref<1x8x4000xf32, #tpu.memory_space<vmem>>
          %dma_wait3A_321 = tpu.memref_squeeze %dma_wait3A_320 : memref<1x8x4000xf32, #tpu.memory_space<vmem>> -> memref<8x4000xf32, #tpu.memory_space<vmem>>
          tpu.wait_dma2 semaphore(%arg12 : memref<!tpu.dma_semaphore, #tpu.memory_space<semaphore_mem>>) src(%dma_wait3A_321 : memref<8x4000xf32, #tpu.memory_space<vmem>>) dst(%dma_wait3A_317 : memref<8x4000xf32, #tpu.memory_space<hbm>>)
        } else {
        }
        %add3A_270 = arith.constant 1 : i32
        %add3A_271 = arith.addi %mul3A_81, %add3A_270 : i32
        %mul3A_272 = arith.constant 2 : i32
        %mul3A_273 = arith.muli %mul3A_272, %add3A : i32
        %div3A_274 = arith.constant 16 : i32
        %div3A_275 = arith.divsi %add3A_271, %div3A_274 : i32
        %add3A_276 = arith.addi %mul3A_273, %div3A_275 : i32
        %rem3A_277 = arith.constant 16 : i32
        %rem3A_278 = arith.remsi %add3A_271, %rem3A_277 : i32
        %mul3A_279 = arith.constant 8 : i32
        %mul3A_280 = arith.muli %rem3A_278, %mul3A_279 : i32
        %dma_start3A_281 = arith.constant 1 : i32
        %dma_start3A_282 = arith.constant 0 : i32
        %dma_start3A_283 = arith.constant 0 : i32
        %dma_start3A_284 = tpu.memref_slice %arg6[%dma_start3A_281, %dma_start3A_282, %dma_start3A_283] : memref<2x8x4000xf32, #tpu.memory_space<vmem>> -> memref<1x8x4000xf32, #tpu.memory_space<vmem>>
        %dma_start3A_285 = tpu.memref_squeeze %dma_start3A_284 : memref<1x8x4000xf32, #tpu.memory_space<vmem>> -> memref<8x4000xf32, #tpu.memory_space<vmem>>
        %dma_start3A_286 = arith.constant 0 : i32
        %dma_start3A_287 = tpu.memref_slice %arg2[%add3A_276, %mul3A_280, %dma_start3A_286] : memref<64x128x4000xf32, #tpu.memory_space<hbm>> -> memref<1x8x4000xf32, #tpu.memory_space<hbm>>
        %dma_start3A_288 = tpu.memref_squeeze %dma_start3A_287 : memref<1x8x4000xf32, #tpu.memory_space<hbm>> -> memref<8x4000xf32, #tpu.memory_space<hbm>>
        %dma_start3A_289 = arith.constant 0 : i32
        %dma_start3A_290 = arith.constant 0 : i32
        %dma_start3A_291 = tpu.memref_slice %arg6[%dma_start3A_281, %dma_start3A_289, %dma_start3A_290] : memref<2x8x4000xf32, #tpu.memory_space<vmem>> -> memref<1x8x4000xf32, #tpu.memory_space<vmem>>
        %dma_start3A_292 = tpu.memref_squeeze %dma_start3A_291 : memref<1x8x4000xf32, #tpu.memory_space<vmem>> -> memref<8x4000xf32, #tpu.memory_space<vmem>>
        %dma_start3A_293 = arith.constant 0 : i32
        %dma_start3A_294 = tpu.memref_slice %arg2[%add3A_276, %mul3A_280, %dma_start3A_293] : memref<64x128x4000xf32, #tpu.memory_space<hbm>> -> memref<1x8x4000xf32, #tpu.memory_space<hbm>>
        %dma_start3A_295 = tpu.memref_squeeze %dma_start3A_294 : memref<1x8x4000xf32, #tpu.memory_space<hbm>> -> memref<8x4000xf32, #tpu.memory_space<hbm>>
        tpu.enqueue_dma source(%dma_start3A_295 : memref<8x4000xf32, #tpu.memory_space<hbm>>) target(%dma_start3A_292 : memref<8x4000xf32, #tpu.memory_space<vmem>>) target_semaphore(%arg10 : memref<!tpu.dma_semaphore, #tpu.memory_space<semaphore_mem>>)
      } else {
      }
      %mul3A_86 = arith.constant 2 : i32
      %mul3A_87 = arith.muli %mul3A_86, %add3A : i32
      %div3A_88 = arith.constant 16 : i32
      %div3A_89 = arith.divsi %mul3A_81, %div3A_88 : i32
      %add3A_90 = arith.addi %mul3A_87, %div3A_89 : i32
      %rem3A_91 = arith.constant 16 : i32
      %rem3A_92 = arith.remsi %mul3A_81, %rem3A_91 : i32
      %mul3A_93 = arith.constant 8 : i32
      %mul3A_94 = arith.muli %rem3A_92, %mul3A_93 : i32
      %dma_wait3A_95 = arith.constant 0 : i32
      %dma_wait3A_96 = arith.constant 0 : i32
      %dma_wait3A_97 = arith.constant 0 : i32
      %dma_wait3A_98 = tpu.memref_slice %arg6[%dma_wait3A_95, %dma_wait3A_96, %dma_wait3A_97] : memref<2x8x4000xf32, #tpu.memory_space<vmem>> -> memref<1x8x4000xf32, #tpu.memory_space<vmem>>
      %dma_wait3A_99 = tpu.memref_squeeze %dma_wait3A_98 : memref<1x8x4000xf32, #tpu.memory_space<vmem>> -> memref<8x4000xf32, #tpu.memory_space<vmem>>
      %dma_wait3A_100 = arith.constant 0 : i32
      %dma_wait3A_101 = tpu.memref_slice %arg2[%add3A_90, %mul3A_94, %dma_wait3A_100] : memref<64x128x4000xf32, #tpu.memory_space<hbm>> -> memref<1x8x4000xf32, #tpu.memory_space<hbm>>
      %dma_wait3A_102 = tpu.memref_squeeze %dma_wait3A_101 : memref<1x8x4000xf32, #tpu.memory_space<hbm>> -> memref<8x4000xf32, #tpu.memory_space<hbm>>
      %dma_wait3A_103 = arith.constant 0 : i32
      %dma_wait3A_104 = arith.constant 0 : i32
      %dma_wait3A_105 = tpu.memref_slice %arg6[%dma_wait3A_95, %dma_wait3A_103, %dma_wait3A_104] : memref<2x8x4000xf32, #tpu.memory_space<vmem>> -> memref<1x8x4000xf32, #tpu.memory_space<vmem>>
      %dma_wait3A_106 = tpu.memref_squeeze %dma_wait3A_105 : memref<1x8x4000xf32, #tpu.memory_space<vmem>> -> memref<8x4000xf32, #tpu.memory_space<vmem>>
      %dma_wait3A_107 = arith.constant 0 : i32
      %dma_wait3A_108 = tpu.memref_slice %arg2[%add3A_90, %mul3A_94, %dma_wait3A_107] : memref<64x128x4000xf32, #tpu.memory_space<hbm>> -> memref<1x8x4000xf32, #tpu.memory_space<hbm>>
      %dma_wait3A_109 = tpu.memref_squeeze %dma_wait3A_108 : memref<1x8x4000xf32, #tpu.memory_space<hbm>> -> memref<8x4000xf32, #tpu.memory_space<hbm>>
      tpu.wait_dma2 semaphore(%arg9 : memref<!tpu.dma_semaphore, #tpu.memory_space<semaphore_mem>>) src(%dma_wait3A_109 : memref<8x4000xf32, #tpu.memory_space<hbm>>) dst(%dma_wait3A_106 : memref<8x4000xf32, #tpu.memory_space<vmem>>)
      %mul3A_110 = arith.constant 2 : i32
      %mul3A_111 = arith.muli %mul3A_110, %add3A : i32
      %div3A_112 = arith.constant 16 : i32
      %div3A_113 = arith.divsi %mul3A_81, %div3A_112 : i32
      %add3A_114 = arith.addi %mul3A_111, %div3A_113 : i32
      %rem3A_115 = arith.constant 16 : i32
      %rem3A_116 = arith.remsi %mul3A_81, %rem3A_115 : i32
      %mul3A_117 = arith.constant 8 : i32
      %mul3A_118 = arith.muli %rem3A_116, %mul3A_117 : i32
      %get3A = arith.index_cast %add3A_114 : i32 to index
      %get3A_119 = tpu.vector_load %arg7[%get3A] {strides = array<i32>} : memref<80xi32, #tpu.memory_space<vmem>>, vector<16xi32>,
      %get3A_120 = vector.shape_cast %get3A_119 : vector<16xi32> to vector<16xi32>
      %slice3A = vector.extract_strided_slice %get3A_120 {offsets = [0], sizes = [1], strides = [1]} : vector<16xi32> to vector<1xi32>
      %squeeze3A = vector.extract %slice3A[0] : i32 from vector<1xi32>
      %get3A_121 = arith.index_cast %add3A_114 : i32 to index
      %get3A_122 = tpu.vector_load %arg8[%get3A_121] {strides = array<i32>} : memref<80xi32, #tpu.memory_space<vmem>>, vector<16xi32>,
      %get3A_123 = vector.shape_cast %get3A_122 : vector<16xi32> to vector<16xi32>
      %slice3A_124 = vector.extract_strided_slice %get3A_123 {offsets = [0], sizes = [1], strides = [1]} : vector<16xi32> to vector<1xi32>
      %squeeze3A_125 = vector.extract %slice3A_124[0] : i32 from vector<1xi32>
      %div3A_126 = arith.constant 16 : i32
      %div3A_127 = arith.divsi %squeeze3A, %div3A_126 : i32
      %mul3A_128 = arith.constant 16 : i32
      %mul3A_129 = arith.muli %div3A_127, %mul3A_128 : i32
      %add3A_130 = arith.constant 400 : i32
      %add3A_131 = arith.addi %squeeze3A, %add3A_130 : i32
      %div3A_132 = arith.constant 16 : i32
      %div3A_133 = arith.divsi %add3A_131, %div3A_132 : i32
      %mul3A_134 = arith.constant 16 : i32
      %mul3A_135 = arith.muli %div3A_133, %mul3A_134 : i32
      %sub3A = arith.subi %mul3A_135, %mul3A_129 : i32
      %div3A_136 = arith.constant 16 : i32
      %div3A_137 = arith.divsi %sub3A, %div3A_136 : i32
      %sub3A_138 = arith.constant 1 : i32
      %sub3A_139 = arith.subi %div3A_137, %sub3A_138 : i32
      %iota3A = tpu.iota {dimensions = array<i32: 0>} : vector<16xi32>
      %scan3A_140 = arith.constant 0 : i32
      %scan3A_141 = arith.constant 8 : i32
      %scan3A_142 = arith.addi %scan3A_140, %scan3A_141 : i32
      %scan3A_143 = arith.constant 1 : i32
      scf.for %scan3A_266 = %scan3A_140 to %scan3A_142 step %scan3A_143  : i32 {
        %get3A_267 = arith.constant 0 : i32
        %get3A_268 = arith.index_cast %get3A_267 : i32 to index
        %get3A_269 = arith.index_cast %scan3A_266 : i32 to index
        %get3A_270 = arith.index_cast %mul3A_129 : i32 to index
        %get3A_271 = tpu.vector_load %arg6[%get3A_268, %get3A_269, %get3A_270] {strides = array<i32>} : memref<2x8x4000xf32, #tpu.memory_space<vmem>>, vector<1x1x16xf32>,
        %get3A_272 = vector.shape_cast %get3A_271 : vector<1x1x16xf32> to vector<16xf32>
        %add3A_273 = vector.broadcast %mul3A_129 : i32 to vector<16xi32>
        %add3A_274 = arith.addi %iota3A, %add3A_273 : vector<16xi32>
        %ge3A = vector.broadcast %squeeze3A : i32 to vector<16xi32>
        %ge3A_275 = arith.cmpi sge, %add3A_274, %ge3A : vector<16xi32>
        %add3A_276 = vector.broadcast %mul3A_129 : i32 to vector<16xi32>
        %add3A_277 = arith.addi %iota3A, %add3A_276 : vector<16xi32>
        %add3A_278 = arith.constant 400 : i32
        %add3A_279 = arith.addi %squeeze3A, %add3A_278 : i32
        %lt3A_280 = vector.broadcast %add3A_279 : i32 to vector<16xi32>
        %lt3A_281 = arith.cmpi slt, %add3A_277, %lt3A_280 : vector<16xi32>
        %and3A = arith.andi %ge3A_275, %lt3A_281 : vector<16xi1>
        %jit3A = arith.constant 0.000000e+00 : f32
        %broadcast_in_dim3A = vector.broadcast %jit3A : f32 to vector<16xf32>
        %select_n3A = arith.select %and3A, %broadcast_in_dim3A, %get3A_272 : vector<16xi1>, vector<16xf32>
        %swap3A = arith.constant 0 : i32
        %swap3A_282 = arith.index_cast %swap3A : i32 to index
        %swap3A_283 = arith.index_cast %scan3A_266 : i32 to index
        %swap3A_284 = arith.index_cast %mul3A_129 : i32 to index
        %swap3A_285 = tpu.vector_load %arg6[%swap3A_282, %swap3A_283, %swap3A_284] {strides = array<i32>} : memref<2x8x4000xf32, #tpu.memory_space<vmem>>, vector<1x1x16xf32>,
        %swap3A_286 = vector.shape_cast %swap3A_285 : vector<1x1x16xf32> to vector<16xf32>
        %swap3A_287 = vector.shape_cast %select_n3A : vector<16xf32> to vector<1x1x16xf32>
        tpu.vector_store %arg6[%swap3A_282, %swap3A_283, %swap3A_284], %swap3A_287 {strides = array<i32>} : memref<2x8x4000xf32, #tpu.memory_space<vmem>>, vector<1x1x16xf32>,
        %while3A = arith.constant 0 : i32
        %while3A_288 = arith.subi %sub3A_139, %while3A : i32
        %while3A_289 = arith.addi %while3A, %while3A_288 : i32
        %while3A_290 = arith.constant 1 : i32
        %while3A_291 = arith.divsi %while3A_288, %while3A_290 : i32
        %while3A_292 = arith.muli %while3A_291, %while3A_290 : i32
        %while3A_293 = arith.addi %while3A, %while3A_292 : i32
        %while3A_294 = arith.constant 1 : i32
        scf.for %while3A_310 = %while3A to %while3A_293 step %while3A_294  : i32 {
          %add3A_311 = arith.constant 16 : i32
          %add3A_312 = arith.addi %mul3A_129, %add3A_311 : i32
          %mul3A_313 = arith.constant 16 : i32
          %mul3A_314 = arith.muli %mul3A_313, %while3A_310 : i32
          %add3A_315 = arith.addi %add3A_312, %mul3A_314 : i32
          %broadcast_in_dim3A_316 = arith.constant 0.000000e+00 : f32
          %broadcast_in_dim3A_317 = vector.broadcast %broadcast_in_dim3A_316 : f32 to vector<16xf32>
          %swap3A_318 = arith.constant 0 : i32
          %swap3A_319 = arith.index_cast %swap3A_318 : i32 to index
          %swap3A_320 = arith.index_cast %scan3A_266 : i32 to index
          %swap3A_321 = arith.index_cast %add3A_315 : i32 to index
          %swap3A_322 = tpu.vector_load %arg6[%swap3A_319, %swap3A_320, %swap3A_321] {strides = array<i32>} : memref<2x8x4000xf32, #tpu.memory_space<vmem>>, vector<1x1x16xf32>,
          %swap3A_323 = vector.shape_cast %swap3A_322 : vector<1x1x16xf32> to vector<16xf32>
          %swap3A_324 = vector.shape_cast %broadcast_in_dim3A_317 : vector<16xf32> to vector<1x1x16xf32>
          tpu.vector_store %arg6[%swap3A_319, %swap3A_320, %swap3A_321], %swap3A_324 {strides = array<i32>} : memref<2x8x4000xf32, #tpu.memory_space<vmem>>, vector<1x1x16xf32>,
        }
        %while3A_295 = arith.constant 1 : i32
        scf.for %while3A_310 = %while3A_293 to %while3A_289 step %while3A_295  : i32 {
          %add3A_311 = arith.constant 16 : i32
          %add3A_312 = arith.addi %mul3A_129, %add3A_311 : i32
          %mul3A_313 = arith.constant 16 : i32
          %mul3A_314 = arith.muli %mul3A_313, %while3A_310 : i32
          %add3A_315 = arith.addi %add3A_312, %mul3A_314 : i32
          %broadcast_in_dim3A_316 = arith.constant 0.000000e+00 : f32
          %broadcast_in_dim3A_317 = vector.broadcast %broadcast_in_dim3A_316 : f32 to vector<16xf32>
          %swap3A_318 = arith.constant 0 : i32
          %swap3A_319 = arith.index_cast %swap3A_318 : i32 to index
          %swap3A_320 = arith.index_cast %scan3A_266 : i32 to index
          %swap3A_321 = arith.index_cast %add3A_315 : i32 to index
          %swap3A_322 = tpu.vector_load %arg6[%swap3A_319, %swap3A_320, %swap3A_321] {strides = array<i32>} : memref<2x8x4000xf32, #tpu.memory_space<vmem>>, vector<1x1x16xf32>,
          %swap3A_323 = vector.shape_cast %swap3A_322 : vector<1x1x16xf32> to vector<16xf32>
          %swap3A_324 = vector.shape_cast %broadcast_in_dim3A_317 : vector<16xf32> to vector<1x1x16xf32>
          tpu.vector_store %arg6[%swap3A_319, %swap3A_320, %swap3A_321], %swap3A_324 {strides = array<i32>} : memref<2x8x4000xf32, #tpu.memory_space<vmem>>, vector<1x1x16xf32>,
        }
        %lt3A_296 = arith.constant 4000 : i32
        %lt3A_297 = arith.cmpi slt, %mul3A_135, %lt3A_296 : i32
        %convert_element_type3A_298 = arith.extui %lt3A_297 : i1 to i32
        %cond3A_299 = arith.constant 0 : i32
        %cond3A_300 = arith.cmpi ne, %convert_element_type3A_298, %cond3A_299 : i32
        scf.if %cond3A_300 {
          %get3A_310 = arith.constant 0 : i32
          %get3A_311 = arith.index_cast %get3A_310 : i32 to index
          %get3A_312 = arith.index_cast %scan3A_266 : i32 to index
          %get3A_313 = arith.index_cast %mul3A_135 : i32 to index
          %get3A_314 = tpu.vector_load %arg6[%get3A_311, %get3A_312, %get3A_313] {strides = array<i32>} : memref<2x8x4000xf32, #tpu.memory_space<vmem>>, vector<1x1x16xf32>,
          %get3A_315 = vector.shape_cast %get3A_314 : vector<1x1x16xf32> to vector<16xf32>
          %add3A_316 = vector.broadcast %mul3A_135 : i32 to vector<16xi32>
          %add3A_317 = arith.addi %iota3A, %add3A_316 : vector<16xi32>
          %ge3A_318 = vector.broadcast %squeeze3A : i32 to vector<16xi32>
          %ge3A_319 = arith.cmpi sge, %add3A_317, %ge3A_318 : vector<16xi32>
          %add3A_320 = vector.broadcast %mul3A_135 : i32 to vector<16xi32>
          %add3A_321 = arith.addi %iota3A, %add3A_320 : vector<16xi32>
          %add3A_322 = arith.constant 400 : i32
          %add3A_323 = arith.addi %squeeze3A, %add3A_322 : i32
          %lt3A_324 = vector.broadcast %add3A_323 : i32 to vector<16xi32>
          %lt3A_325 = arith.cmpi slt, %add3A_321, %lt3A_324 : vector<16xi32>
          %and3A_326 = arith.andi %ge3A_319, %lt3A_325 : vector<16xi1>
          %jit3A_327 = arith.constant 0.000000e+00 : f32
          %broadcast_in_dim3A_328 = vector.broadcast %jit3A_327 : f32 to vector<16xf32>
          %select_n3A_329 = arith.select %and3A_326, %broadcast_in_dim3A_328, %get3A_315 : vector<16xi1>, vector<16xf32>
          %swap3A_330 = arith.constant 0 : i32
          %swap3A_331 = arith.index_cast %swap3A_330 : i32 to index
          %swap3A_332 = arith.index_cast %scan3A_266 : i32 to index
          %swap3A_333 = arith.index_cast %mul3A_135 : i32 to index
          %swap3A_334 = tpu.vector_load %arg6[%swap3A_331, %swap3A_332, %swap3A_333] {strides = array<i32>} : memref<2x8x4000xf32, #tpu.memory_space<vmem>>, vector<1x1x16xf32>,
          %swap3A_335 = vector.shape_cast %swap3A_334 : vector<1x1x16xf32> to vector<16xf32>
          %swap3A_336 = vector.shape_cast %select_n3A_329 : vector<16xf32> to vector<1x1x16xf32>
          tpu.vector_store %arg6[%swap3A_331, %swap3A_332, %swap3A_333], %swap3A_336 {strides = array<i32>} : memref<2x8x4000xf32, #tpu.memory_space<vmem>>, vector<1x1x16xf32>,
        } else {
        }
        %add3A_301 = arith.addi %mul3A_118, %scan3A_266 : i32
        %ge3A_302 = arith.cmpi sge, %add3A_301, %squeeze3A_125 : i32
        %add3A_303 = arith.constant 12 : i32
        %add3A_304 = arith.addi %squeeze3A_125, %add3A_303 : i32
        %lt3A_305 = arith.cmpi slt, %add3A_301, %add3A_304 : i32
        %and3A_306 = arith.andi %ge3A_302, %lt3A_305 : i1
        %convert_element_type3A_307 = arith.extui %and3A_306 : i1 to i32
        %cond3A_308 = arith.constant 0 : i32
        %cond3A_309 = arith.cmpi ne, %convert_element_type3A_307, %cond3A_308 : i32
        scf.if %cond3A_309 {
          %scan3A_310 = arith.constant 0 : i32
          %scan3A_311 = arith.constant 250 : i32
          %scan3A_312 = arith.addi %scan3A_310, %scan3A_311 : i32
          %scan3A_313 = arith.constant 1 : i32
          scf.for %scan3A_315 = %scan3A_310 to %scan3A_312 step %scan3A_313  : i32 {
            %mul3A_316 = arith.constant 16 : i32
            %mul3A_317 = arith.muli %mul3A_316, %scan3A_315 : i32
            %broadcast_in_dim3A_318 = arith.constant 0.000000e+00 : f32
            %broadcast_in_dim3A_319 = vector.broadcast %broadcast_in_dim3A_318 : f32 to vector<16xf32>
            %swap3A_320 = arith.constant 0 : i32
            %swap3A_321 = arith.index_cast %swap3A_320 : i32 to index
            %swap3A_322 = arith.index_cast %scan3A_266 : i32 to index
            %swap3A_323 = arith.index_cast %mul3A_317 : i32 to index
            %swap3A_324 = tpu.vector_load %arg6[%swap3A_321, %swap3A_322, %swap3A_323] {strides = array<i32>} : memref<2x8x4000xf32, #tpu.memory_space<vmem>>, vector<1x1x16xf32>,
            %swap3A_325 = vector.shape_cast %swap3A_324 : vector<1x1x16xf32> to vector<16xf32>
            %swap3A_326 = vector.shape_cast %broadcast_in_dim3A_319 : vector<16xf32> to vector<1x1x16xf32>
            tpu.vector_store %arg6[%swap3A_321, %swap3A_322, %swap3A_323], %swap3A_326 {strides = array<i32>} : memref<2x8x4000xf32, #tpu.memory_space<vmem>>, vector<1x1x16xf32>,
          }
          %scan3A_314 = arith.constant 250 : i32
        } else {
        }
      }
      %scan3A_144 = arith.constant 8 : i32
      %mul3A_145 = arith.constant 2 : i32
      %mul3A_146 = arith.muli %mul3A_145, %add3A : i32
      %div3A_147 = arith.constant 16 : i32
      %div3A_148 = arith.divsi %mul3A_81, %div3A_147 : i32
      %add3A_149 = arith.addi %mul3A_146, %div3A_148 : i32
      %rem3A_150 = arith.constant 16 : i32
      %rem3A_151 = arith.remsi %mul3A_81, %rem3A_150 : i32
      %mul3A_152 = arith.constant 8 : i32
      %mul3A_153 = arith.muli %rem3A_151, %mul3A_152 : i32
      %dma_start3A_154 = arith.constant 0 : i32
      %dma_start3A_155 = arith.constant 0 : i32
      %dma_start3A_156 = arith.constant 0 : i32
      %dma_start3A_157 = tpu.memref_slice %arg6[%dma_start3A_154, %dma_start3A_155, %dma_start3A_156] : memref<2x8x4000xf32, #tpu.memory_space<vmem>> -> memref<1x8x4000xf32, #tpu.memory_space<vmem>>
      %dma_start3A_158 = tpu.memref_squeeze %dma_start3A_157 : memref<1x8x4000xf32, #tpu.memory_space<vmem>> -> memref<8x4000xf32, #tpu.memory_space<vmem>>
      %dma_start3A_159 = arith.constant 0 : i32
      %dma_start3A_160 = tpu.memref_slice %arg5[%add3A_149, %mul3A_153, %dma_start3A_159] : memref<64x128x4000xf32, #tpu.memory_space<hbm>> -> memref<1x8x4000xf32, #tpu.memory_space<hbm>>
      %dma_start3A_161 = tpu.memref_squeeze %dma_start3A_160 : memref<1x8x4000xf32, #tpu.memory_space<hbm>> -> memref<8x4000xf32, #tpu.memory_space<hbm>>
      %dma_start3A_162 = arith.constant 0 : i32
      %dma_start3A_163 = tpu.memref_slice %arg5[%add3A_149, %mul3A_153, %dma_start3A_162] : memref<64x128x4000xf32, #tpu.memory_space<hbm>> -> memref<1x8x4000xf32, #tpu.memory_space<hbm>>
      %dma_start3A_164 = tpu.memref_squeeze %dma_start3A_163 : memref<1x8x4000xf32, #tpu.memory_space<hbm>> -> memref<8x4000xf32, #tpu.memory_space<hbm>>
      %dma_start3A_165 = arith.constant 0 : i32
      %dma_start3A_166 = arith.constant 0 : i32
      %dma_start3A_167 = tpu.memref_slice %arg6[%dma_start3A_154, %dma_start3A_165, %dma_start3A_166] : memref<2x8x4000xf32, #tpu.memory_space<vmem>> -> memref<1x8x4000xf32, #tpu.memory_space<vmem>>
      %dma_start3A_168 = tpu.memref_squeeze %dma_start3A_167 : memref<1x8x4000xf32, #tpu.memory_space<vmem>> -> memref<8x4000xf32, #tpu.memory_space<vmem>>
      tpu.enqueue_dma source(%dma_start3A_168 : memref<8x4000xf32, #tpu.memory_space<vmem>>) target(%dma_start3A_164 : memref<8x4000xf32, #tpu.memory_space<hbm>>) target_semaphore(%arg11 : memref<!tpu.dma_semaphore, #tpu.memory_space<semaphore_mem>>)
      %add3A_169 = arith.constant 1 : i32
      %add3A_170 = arith.addi %mul3A_81, %add3A_169 : i32
      %add3A_171 = arith.constant 1 : i32
      %add3A_172 = arith.addi %add3A_170, %add3A_171 : i32
      %lt3A_173 = arith.constant 32 : i32
      %lt3A_174 = arith.cmpi slt, %add3A_172, %lt3A_173 : i32
      %convert_element_type3A_175 = arith.extui %lt3A_174 : i1 to i32
      %cond3A_176 = arith.constant 0 : i32
      %cond3A_177 = arith.cmpi ne, %convert_element_type3A_175, %cond3A_176 : i32
      scf.if %cond3A_177 {
        %ge3A = arith.constant 1 : i32
        %ge3A_266 = arith.cmpi sge, %add3A_170, %ge3A : i32
        %convert_element_type3A_267 = arith.extui %ge3A_266 : i1 to i32
        %cond3A_268 = arith.constant 0 : i32
        %cond3A_269 = arith.cmpi ne, %convert_element_type3A_267, %cond3A_268 : i32
        scf.if %cond3A_269 {
          %sub3A_296 = arith.constant 1 : i32
          %sub3A_297 = arith.subi %add3A_170, %sub3A_296 : i32
          %mul3A_298 = arith.constant 2 : i32
          %mul3A_299 = arith.muli %mul3A_298, %add3A : i32
          %div3A_300 = arith.constant 16 : i32
          %div3A_301 = arith.divsi %sub3A_297, %div3A_300 : i32
          %add3A_302 = arith.addi %mul3A_299, %div3A_301 : i32
          %rem3A_303 = arith.constant 16 : i32
          %rem3A_304 = arith.remsi %sub3A_297, %rem3A_303 : i32
          %mul3A_305 = arith.constant 8 : i32
          %mul3A_306 = arith.muli %rem3A_304, %mul3A_305 : i32
          %dma_wait3A_307 = arith.constant 0 : i32
          %dma_wait3A_308 = arith.constant 0 : i32
          %dma_wait3A_309 = arith.constant 0 : i32
          %dma_wait3A_310 = tpu.memref_slice %arg6[%dma_wait3A_307, %dma_wait3A_308, %dma_wait3A_309] : memref<2x8x4000xf32, #tpu.memory_space<vmem>> -> memref<1x8x4000xf32, #tpu.memory_space<vmem>>
          %dma_wait3A_311 = tpu.memref_squeeze %dma_wait3A_310 : memref<1x8x4000xf32, #tpu.memory_space<vmem>> -> memref<8x4000xf32, #tpu.memory_space<vmem>>
          %dma_wait3A_312 = arith.constant 0 : i32
          %dma_wait3A_313 = tpu.memref_slice %arg5[%add3A_302, %mul3A_306, %dma_wait3A_312] : memref<64x128x4000xf32, #tpu.memory_space<hbm>> -> memref<1x8x4000xf32, #tpu.memory_space<hbm>>
          %dma_wait3A_314 = tpu.memref_squeeze %dma_wait3A_313 : memref<1x8x4000xf32, #tpu.memory_space<hbm>> -> memref<8x4000xf32, #tpu.memory_space<hbm>>
          %dma_wait3A_315 = arith.constant 0 : i32
          %dma_wait3A_316 = tpu.memref_slice %arg5[%add3A_302, %mul3A_306, %dma_wait3A_315] : memref<64x128x4000xf32, #tpu.memory_space<hbm>> -> memref<1x8x4000xf32, #tpu.memory_space<hbm>>
          %dma_wait3A_317 = tpu.memref_squeeze %dma_wait3A_316 : memref<1x8x4000xf32, #tpu.memory_space<hbm>> -> memref<8x4000xf32, #tpu.memory_space<hbm>>
          %dma_wait3A_318 = arith.constant 0 : i32
          %dma_wait3A_319 = arith.constant 0 : i32
          %dma_wait3A_320 = tpu.memref_slice %arg6[%dma_wait3A_307, %dma_wait3A_318, %dma_wait3A_319] : memref<2x8x4000xf32, #tpu.memory_space<vmem>> -> memref<1x8x4000xf32, #tpu.memory_space<vmem>>
          %dma_wait3A_321 = tpu.memref_squeeze %dma_wait3A_320 : memref<1x8x4000xf32, #tpu.memory_space<vmem>> -> memref<8x4000xf32, #tpu.memory_space<vmem>>
          tpu.wait_dma2 semaphore(%arg11 : memref<!tpu.dma_semaphore, #tpu.memory_space<semaphore_mem>>) src(%dma_wait3A_321 : memref<8x4000xf32, #tpu.memory_space<vmem>>) dst(%dma_wait3A_317 : memref<8x4000xf32, #tpu.memory_space<hbm>>)
        } else {
        }
        %add3A_270 = arith.constant 1 : i32
        %add3A_271 = arith.addi %add3A_170, %add3A_270 : i32
        %mul3A_272 = arith.constant 2 : i32
        %mul3A_273 = arith.muli %mul3A_272, %add3A : i32
        %div3A_274 = arith.constant 16 : i32
        %div3A_275 = arith.divsi %add3A_271, %div3A_274 : i32
        %add3A_276 = arith.addi %mul3A_273, %div3A_275 : i32
        %rem3A_277 = arith.constant 16 : i32
        %rem3A_278 = arith.remsi %add3A_271, %rem3A_277 : i32
        %mul3A_279 = arith.constant 8 : i32
        %mul3A_280 = arith.muli %rem3A_278, %mul3A_279 : i32
        %dma_start3A_281 = arith.constant 0 : i32
        %dma_start3A_282 = arith.constant 0 : i32
        %dma_start3A_283 = arith.constant 0 : i32
        %dma_start3A_284 = tpu.memref_slice %arg6[%dma_start3A_281, %dma_start3A_282, %dma_start3A_283] : memref<2x8x4000xf32, #tpu.memory_space<vmem>> -> memref<1x8x4000xf32, #tpu.memory_space<vmem>>
        %dma_start3A_285 = tpu.memref_squeeze %dma_start3A_284 : memref<1x8x4000xf32, #tpu.memory_space<vmem>> -> memref<8x4000xf32, #tpu.memory_space<vmem>>
        %dma_start3A_286 = arith.constant 0 : i32
        %dma_start3A_287 = tpu.memref_slice %arg2[%add3A_276, %mul3A_280, %dma_start3A_286] : memref<64x128x4000xf32, #tpu.memory_space<hbm>> -> memref<1x8x4000xf32, #tpu.memory_space<hbm>>
        %dma_start3A_288 = tpu.memref_squeeze %dma_start3A_287 : memref<1x8x4000xf32, #tpu.memory_space<hbm>> -> memref<8x4000xf32, #tpu.memory_space<hbm>>
        %dma_start3A_289 = arith.constant 0 : i32
        %dma_start3A_290 = arith.constant 0 : i32
        %dma_start3A_291 = tpu.memref_slice %arg6[%dma_start3A_281, %dma_start3A_289, %dma_start3A_290] : memref<2x8x4000xf32, #tpu.memory_space<vmem>> -> memref<1x8x4000xf32, #tpu.memory_space<vmem>>
        %dma_start3A_292 = tpu.memref_squeeze %dma_start3A_291 : memref<1x8x4000xf32, #tpu.memory_space<vmem>> -> memref<8x4000xf32, #tpu.memory_space<vmem>>
        %dma_start3A_293 = arith.constant 0 : i32
        %dma_start3A_294 = tpu.memref_slice %arg2[%add3A_276, %mul3A_280, %dma_start3A_293] : memref<64x128x4000xf32, #tpu.memory_space<hbm>> -> memref<1x8x4000xf32, #tpu.memory_space<hbm>>
        %dma_start3A_295 = tpu.memref_squeeze %dma_start3A_294 : memref<1x8x4000xf32, #tpu.memory_space<hbm>> -> memref<8x4000xf32, #tpu.memory_space<hbm>>
        tpu.enqueue_dma source(%dma_start3A_295 : memref<8x4000xf32, #tpu.memory_space<hbm>>) target(%dma_start3A_292 : memref<8x4000xf32, #tpu.memory_space<vmem>>) target_semaphore(%arg9 : memref<!tpu.dma_semaphore, #tpu.memory_space<semaphore_mem>>)
      } else {
      }
      %mul3A_178 = arith.constant 2 : i32
      %mul3A_179 = arith.muli %mul3A_178, %add3A : i32
      %div3A_180 = arith.constant 16 : i32
      %div3A_181 = arith.divsi %add3A_170, %div3A_180 : i32
      %add3A_182 = arith.addi %mul3A_179, %div3A_181 : i32
      %rem3A_183 = arith.constant 16 : i32
      %rem3A_184 = arith.remsi %add3A_170, %rem3A_183 : i32
      %mul3A_185 = arith.constant 8 : i32
      %mul3A_186 = arith.muli %rem3A_184, %mul3A_185 : i32
      %dma_wait3A_187 = arith.constant 1 : i32
      %dma_wait3A_188 = arith.constant 0 : i32
      %dma_wait3A_189 = arith.constant 0 : i32
      %dma_wait3A_190 = tpu.memref_slice %arg6[%dma_wait3A_187, %dma_wait3A_188, %dma_wait3A_189] : memref<2x8x4000xf32, #tpu.memory_space<vmem>> -> memref<1x8x4000xf32, #tpu.memory_space<vmem>>
      %dma_wait3A_191 = tpu.memref_squeeze %dma_wait3A_190 : memref<1x8x4000xf32, #tpu.memory_space<vmem>> -> memref<8x4000xf32, #tpu.memory_space<vmem>>
      %dma_wait3A_192 = arith.constant 0 : i32
      %dma_wait3A_193 = tpu.memref_slice %arg2[%add3A_182, %mul3A_186, %dma_wait3A_192] : memref<64x128x4000xf32, #tpu.memory_space<hbm>> -> memref<1x8x4000xf32, #tpu.memory_space<hbm>>
      %dma_wait3A_194 = tpu.memref_squeeze %dma_wait3A_193 : memref<1x8x4000xf32, #tpu.memory_space<hbm>> -> memref<8x4000xf32, #tpu.memory_space<hbm>>
      %dma_wait3A_195 = arith.constant 0 : i32
      %dma_wait3A_196 = arith.constant 0 : i32
      %dma_wait3A_197 = tpu.memref_slice %arg6[%dma_wait3A_187, %dma_wait3A_195, %dma_wait3A_196] : memref<2x8x4000xf32, #tpu.memory_space<vmem>> -> memref<1x8x4000xf32, #tpu.memory_space<vmem>>
      %dma_wait3A_198 = tpu.memref_squeeze %dma_wait3A_197 : memref<1x8x4000xf32, #tpu.memory_space<vmem>> -> memref<8x4000xf32, #tpu.memory_space<vmem>>
      %dma_wait3A_199 = arith.constant 0 : i32
      %dma_wait3A_200 = tpu.memref_slice %arg2[%add3A_182, %mul3A_186, %dma_wait3A_199] : memref<64x128x4000xf32, #tpu.memory_space<hbm>> -> memref<1x8x4000xf32, #tpu.memory_space<hbm>>
      %dma_wait3A_201 = tpu.memref_squeeze %dma_wait3A_200 : memref<1x8x4000xf32, #tpu.memory_space<hbm>> -> memref<8x4000xf32, #tpu.memory_space<hbm>>
      tpu.wait_dma2 semaphore(%arg10 : memref<!tpu.dma_semaphore, #tpu.memory_space<semaphore_mem>>) src(%dma_wait3A_201 : memref<8x4000xf32, #tpu.memory_space<hbm>>) dst(%dma_wait3A_198 : memref<8x4000xf32, #tpu.memory_space<vmem>>)
      %mul3A_202 = arith.constant 2 : i32
      %mul3A_203 = arith.muli %mul3A_202, %add3A : i32
      %div3A_204 = arith.constant 16 : i32
      %div3A_205 = arith.divsi %add3A_170, %div3A_204 : i32
      %add3A_206 = arith.addi %mul3A_203, %div3A_205 : i32
      %rem3A_207 = arith.constant 16 : i32
      %rem3A_208 = arith.remsi %add3A_170, %rem3A_207 : i32
      %mul3A_209 = arith.constant 8 : i32
      %mul3A_210 = arith.muli %rem3A_208, %mul3A_209 : i32
      %get3A_211 = arith.index_cast %add3A_206 : i32 to index
      %get3A_212 = tpu.vector_load %arg7[%get3A_211] {strides = array<i32>} : memref<80xi32, #tpu.memory_space<vmem>>, vector<16xi32>,
      %get3A_213 = vector.shape_cast %get3A_212 : vector<16xi32> to vector<16xi32>
      %slice3A_214 = vector.extract_strided_slice %get3A_213 {offsets = [0], sizes = [1], strides = [1]} : vector<16xi32> to vector<1xi32>
      %squeeze3A_215 = vector.extract %slice3A_214[0] : i32 from vector<1xi32>
      %get3A_216 = arith.index_cast %add3A_206 : i32 to index
      %get3A_217 = tpu.vector_load %arg8[%get3A_216] {strides = array<i32>} : memref<80xi32, #tpu.memory_space<vmem>>, vector<16xi32>,
      %get3A_218 = vector.shape_cast %get3A_217 : vector<16xi32> to vector<16xi32>
      %slice3A_219 = vector.extract_strided_slice %get3A_218 {offsets = [0], sizes = [1], strides = [1]} : vector<16xi32> to vector<1xi32>
      %squeeze3A_220 = vector.extract %slice3A_219[0] : i32 from vector<1xi32>
      %div3A_221 = arith.constant 16 : i32
      %div3A_222 = arith.divsi %squeeze3A_215, %div3A_221 : i32
      %mul3A_223 = arith.constant 16 : i32
      %mul3A_224 = arith.muli %div3A_222, %mul3A_223 : i32
      %add3A_225 = arith.constant 400 : i32
      %add3A_226 = arith.addi %squeeze3A_215, %add3A_225 : i32
      %div3A_227 = arith.constant 16 : i32
      %div3A_228 = arith.divsi %add3A_226, %div3A_227 : i32
      %mul3A_229 = arith.constant 16 : i32
      %mul3A_230 = arith.muli %div3A_228, %mul3A_229 : i32
      %sub3A_231 = arith.subi %mul3A_230, %mul3A_224 : i32
      %div3A_232 = arith.constant 16 : i32
      %div3A_233 = arith.divsi %sub3A_231, %div3A_232 : i32
      %sub3A_234 = arith.constant 1 : i32
      %sub3A_235 = arith.subi %div3A_233, %sub3A_234 : i32
      %iota3A_236 = tpu.iota {dimensions = array<i32: 0>} : vector<16xi32>
      %scan3A_237 = arith.constant 0 : i32
      %scan3A_238 = arith.constant 8 : i32
      %scan3A_239 = arith.addi %scan3A_237, %scan3A_238 : i32
      %scan3A_240 = arith.constant 1 : i32
      scf.for %scan3A_266 = %scan3A_237 to %scan3A_239 step %scan3A_240  : i32 {
        %get3A_267 = arith.constant 1 : i32
        %get3A_268 = arith.index_cast %get3A_267 : i32 to index
        %get3A_269 = arith.index_cast %scan3A_266 : i32 to index
        %get3A_270 = arith.index_cast %mul3A_224 : i32 to index
        %get3A_271 = tpu.vector_load %arg6[%get3A_268, %get3A_269, %get3A_270] {strides = array<i32>} : memref<2x8x4000xf32, #tpu.memory_space<vmem>>, vector<1x1x16xf32>,
        %get3A_272 = vector.shape_cast %get3A_271 : vector<1x1x16xf32> to vector<16xf32>
        %add3A_273 = vector.broadcast %mul3A_224 : i32 to vector<16xi32>
        %add3A_274 = arith.addi %iota3A_236, %add3A_273 : vector<16xi32>
        %ge3A = vector.broadcast %squeeze3A_215 : i32 to vector<16xi32>
        %ge3A_275 = arith.cmpi sge, %add3A_274, %ge3A : vector<16xi32>
        %add3A_276 = vector.broadcast %mul3A_224 : i32 to vector<16xi32>
        %add3A_277 = arith.addi %iota3A_236, %add3A_276 : vector<16xi32>
        %add3A_278 = arith.constant 400 : i32
        %add3A_279 = arith.addi %squeeze3A_215, %add3A_278 : i32
        %lt3A_280 = vector.broadcast %add3A_279 : i32 to vector<16xi32>
        %lt3A_281 = arith.cmpi slt, %add3A_277, %lt3A_280 : vector<16xi32>
        %and3A = arith.andi %ge3A_275, %lt3A_281 : vector<16xi1>
        %jit3A = arith.constant 0.000000e+00 : f32
        %broadcast_in_dim3A = vector.broadcast %jit3A : f32 to vector<16xf32>
        %select_n3A = arith.select %and3A, %broadcast_in_dim3A, %get3A_272 : vector<16xi1>, vector<16xf32>
        %swap3A = arith.constant 1 : i32
        %swap3A_282 = arith.index_cast %swap3A : i32 to index
        %swap3A_283 = arith.index_cast %scan3A_266 : i32 to index
        %swap3A_284 = arith.index_cast %mul3A_224 : i32 to index
        %swap3A_285 = tpu.vector_load %arg6[%swap3A_282, %swap3A_283, %swap3A_284] {strides = array<i32>} : memref<2x8x4000xf32, #tpu.memory_space<vmem>>, vector<1x1x16xf32>,
        %swap3A_286 = vector.shape_cast %swap3A_285 : vector<1x1x16xf32> to vector<16xf32>
        %swap3A_287 = vector.shape_cast %select_n3A : vector<16xf32> to vector<1x1x16xf32>
        tpu.vector_store %arg6[%swap3A_282, %swap3A_283, %swap3A_284], %swap3A_287 {strides = array<i32>} : memref<2x8x4000xf32, #tpu.memory_space<vmem>>, vector<1x1x16xf32>,
        %while3A = arith.constant 0 : i32
        %while3A_288 = arith.subi %sub3A_235, %while3A : i32
        %while3A_289 = arith.addi %while3A, %while3A_288 : i32
        %while3A_290 = arith.constant 1 : i32
        %while3A_291 = arith.divsi %while3A_288, %while3A_290 : i32
        %while3A_292 = arith.muli %while3A_291, %while3A_290 : i32
        %while3A_293 = arith.addi %while3A, %while3A_292 : i32
        %while3A_294 = arith.constant 1 : i32
        scf.for %while3A_310 = %while3A to %while3A_293 step %while3A_294  : i32 {
          %add3A_311 = arith.constant 16 : i32
          %add3A_312 = arith.addi %mul3A_224, %add3A_311 : i32
          %mul3A_313 = arith.constant 16 : i32
          %mul3A_314 = arith.muli %mul3A_313, %while3A_310 : i32
          %add3A_315 = arith.addi %add3A_312, %mul3A_314 : i32
          %broadcast_in_dim3A_316 = arith.constant 0.000000e+00 : f32
          %broadcast_in_dim3A_317 = vector.broadcast %broadcast_in_dim3A_316 : f32 to vector<16xf32>
          %swap3A_318 = arith.constant 1 : i32
          %swap3A_319 = arith.index_cast %swap3A_318 : i32 to index
          %swap3A_320 = arith.index_cast %scan3A_266 : i32 to index
          %swap3A_321 = arith.index_cast %add3A_315 : i32 to index
          %swap3A_322 = tpu.vector_load %arg6[%swap3A_319, %swap3A_320, %swap3A_321] {strides = array<i32>} : memref<2x8x4000xf32, #tpu.memory_space<vmem>>, vector<1x1x16xf32>,
          %swap3A_323 = vector.shape_cast %swap3A_322 : vector<1x1x16xf32> to vector<16xf32>
          %swap3A_324 = vector.shape_cast %broadcast_in_dim3A_317 : vector<16xf32> to vector<1x1x16xf32>
          tpu.vector_store %arg6[%swap3A_319, %swap3A_320, %swap3A_321], %swap3A_324 {strides = array<i32>} : memref<2x8x4000xf32, #tpu.memory_space<vmem>>, vector<1x1x16xf32>,
        }
        %while3A_295 = arith.constant 1 : i32
        scf.for %while3A_310 = %while3A_293 to %while3A_289 step %while3A_295  : i32 {
          %add3A_311 = arith.constant 16 : i32
          %add3A_312 = arith.addi %mul3A_224, %add3A_311 : i32
          %mul3A_313 = arith.constant 16 : i32
          %mul3A_314 = arith.muli %mul3A_313, %while3A_310 : i32
          %add3A_315 = arith.addi %add3A_312, %mul3A_314 : i32
          %broadcast_in_dim3A_316 = arith.constant 0.000000e+00 : f32
          %broadcast_in_dim3A_317 = vector.broadcast %broadcast_in_dim3A_316 : f32 to vector<16xf32>
          %swap3A_318 = arith.constant 1 : i32
          %swap3A_319 = arith.index_cast %swap3A_318 : i32 to index
          %swap3A_320 = arith.index_cast %scan3A_266 : i32 to index
          %swap3A_321 = arith.index_cast %add3A_315 : i32 to index
          %swap3A_322 = tpu.vector_load %arg6[%swap3A_319, %swap3A_320, %swap3A_321] {strides = array<i32>} : memref<2x8x4000xf32, #tpu.memory_space<vmem>>, vector<1x1x16xf32>,
          %swap3A_323 = vector.shape_cast %swap3A_322 : vector<1x1x16xf32> to vector<16xf32>
          %swap3A_324 = vector.shape_cast %broadcast_in_dim3A_317 : vector<16xf32> to vector<1x1x16xf32>
          tpu.vector_store %arg6[%swap3A_319, %swap3A_320, %swap3A_321], %swap3A_324 {strides = array<i32>} : memref<2x8x4000xf32, #tpu.memory_space<vmem>>, vector<1x1x16xf32>,
        }
        %lt3A_296 = arith.constant 4000 : i32
        %lt3A_297 = arith.cmpi slt, %mul3A_230, %lt3A_296 : i32
        %convert_element_type3A_298 = arith.extui %lt3A_297 : i1 to i32
        %cond3A_299 = arith.constant 0 : i32
        %cond3A_300 = arith.cmpi ne, %convert_element_type3A_298, %cond3A_299 : i32
        scf.if %cond3A_300 {
          %get3A_310 = arith.constant 1 : i32
          %get3A_311 = arith.index_cast %get3A_310 : i32 to index
          %get3A_312 = arith.index_cast %scan3A_266 : i32 to index
          %get3A_313 = arith.index_cast %mul3A_230 : i32 to index
          %get3A_314 = tpu.vector_load %arg6[%get3A_311, %get3A_312, %get3A_313] {strides = array<i32>} : memref<2x8x4000xf32, #tpu.memory_space<vmem>>, vector<1x1x16xf32>,
          %get3A_315 = vector.shape_cast %get3A_314 : vector<1x1x16xf32> to vector<16xf32>
          %add3A_316 = vector.broadcast %mul3A_230 : i32 to vector<16xi32>
          %add3A_317 = arith.addi %iota3A_236, %add3A_316 : vector<16xi32>
          %ge3A_318 = vector.broadcast %squeeze3A_215 : i32 to vector<16xi32>
          %ge3A_319 = arith.cmpi sge, %add3A_317, %ge3A_318 : vector<16xi32>
          %add3A_320 = vector.broadcast %mul3A_230 : i32 to vector<16xi32>
          %add3A_321 = arith.addi %iota3A_236, %add3A_320 : vector<16xi32>
          %add3A_322 = arith.constant 400 : i32
          %add3A_323 = arith.addi %squeeze3A_215, %add3A_322 : i32
          %lt3A_324 = vector.broadcast %add3A_323 : i32 to vector<16xi32>
          %lt3A_325 = arith.cmpi slt, %add3A_321, %lt3A_324 : vector<16xi32>
          %and3A_326 = arith.andi %ge3A_319, %lt3A_325 : vector<16xi1>
          %jit3A_327 = arith.constant 0.000000e+00 : f32
          %broadcast_in_dim3A_328 = vector.broadcast %jit3A_327 : f32 to vector<16xf32>
          %select_n3A_329 = arith.select %and3A_326, %broadcast_in_dim3A_328, %get3A_315 : vector<16xi1>, vector<16xf32>
          %swap3A_330 = arith.constant 1 : i32
          %swap3A_331 = arith.index_cast %swap3A_330 : i32 to index
          %swap3A_332 = arith.index_cast %scan3A_266 : i32 to index
          %swap3A_333 = arith.index_cast %mul3A_230 : i32 to index
          %swap3A_334 = tpu.vector_load %arg6[%swap3A_331, %swap3A_332, %swap3A_333] {strides = array<i32>} : memref<2x8x4000xf32, #tpu.memory_space<vmem>>, vector<1x1x16xf32>,
          %swap3A_335 = vector.shape_cast %swap3A_334 : vector<1x1x16xf32> to vector<16xf32>
          %swap3A_336 = vector.shape_cast %select_n3A_329 : vector<16xf32> to vector<1x1x16xf32>
          tpu.vector_store %arg6[%swap3A_331, %swap3A_332, %swap3A_333], %swap3A_336 {strides = array<i32>} : memref<2x8x4000xf32, #tpu.memory_space<vmem>>, vector<1x1x16xf32>,
        } else {
        }
        %add3A_301 = arith.addi %mul3A_210, %scan3A_266 : i32
        %ge3A_302 = arith.cmpi sge, %add3A_301, %squeeze3A_220 : i32
        %add3A_303 = arith.constant 12 : i32
        %add3A_304 = arith.addi %squeeze3A_220, %add3A_303 : i32
        %lt3A_305 = arith.cmpi slt, %add3A_301, %add3A_304 : i32
        %and3A_306 = arith.andi %ge3A_302, %lt3A_305 : i1
        %convert_element_type3A_307 = arith.extui %and3A_306 : i1 to i32
        %cond3A_308 = arith.constant 0 : i32
        %cond3A_309 = arith.cmpi ne, %convert_element_type3A_307, %cond3A_308 : i32
        scf.if %cond3A_309 {
          %scan3A_310 = arith.constant 0 : i32
          %scan3A_311 = arith.constant 250 : i32
          %scan3A_312 = arith.addi %scan3A_310, %scan3A_311 : i32
          %scan3A_313 = arith.constant 1 : i32
          scf.for %scan3A_315 = %scan3A_310 to %scan3A_312 step %scan3A_313  : i32 {
            %mul3A_316 = arith.constant 16 : i32
            %mul3A_317 = arith.muli %mul3A_316, %scan3A_315 : i32
            %broadcast_in_dim3A_318 = arith.constant 0.000000e+00 : f32
            %broadcast_in_dim3A_319 = vector.broadcast %broadcast_in_dim3A_318 : f32 to vector<16xf32>
            %swap3A_320 = arith.constant 1 : i32
            %swap3A_321 = arith.index_cast %swap3A_320 : i32 to index
            %swap3A_322 = arith.index_cast %scan3A_266 : i32 to index
            %swap3A_323 = arith.index_cast %mul3A_317 : i32 to index
            %swap3A_324 = tpu.vector_load %arg6[%swap3A_321, %swap3A_322, %swap3A_323] {strides = array<i32>} : memref<2x8x4000xf32, #tpu.memory_space<vmem>>, vector<1x1x16xf32>,
            %swap3A_325 = vector.shape_cast %swap3A_324 : vector<1x1x16xf32> to vector<16xf32>
            %swap3A_326 = vector.shape_cast %broadcast_in_dim3A_319 : vector<16xf32> to vector<1x1x16xf32>
            tpu.vector_store %arg6[%swap3A_321, %swap3A_322, %swap3A_323], %swap3A_326 {strides = array<i32>} : memref<2x8x4000xf32, #tpu.memory_space<vmem>>, vector<1x1x16xf32>,
          }
          %scan3A_314 = arith.constant 250 : i32
        } else {
        }
      }
      %scan3A_241 = arith.constant 8 : i32
      %mul3A_242 = arith.constant 2 : i32
      %mul3A_243 = arith.muli %mul3A_242, %add3A : i32
      %div3A_244 = arith.constant 16 : i32
      %div3A_245 = arith.divsi %add3A_170, %div3A_244 : i32
      %add3A_246 = arith.addi %mul3A_243, %div3A_245 : i32
      %rem3A_247 = arith.constant 16 : i32
      %rem3A_248 = arith.remsi %add3A_170, %rem3A_247 : i32
      %mul3A_249 = arith.constant 8 : i32
      %mul3A_250 = arith.muli %rem3A_248, %mul3A_249 : i32
      %dma_start3A_251 = arith.constant 1 : i32
      %dma_start3A_252 = arith.constant 0 : i32
      %dma_start3A_253 = arith.constant 0 : i32
      %dma_start3A_254 = tpu.memref_slice %arg6[%dma_start3A_251, %dma_start3A_252, %dma_start3A_253] : memref<2x8x4000xf32, #tpu.memory_space<vmem>> -> memref<1x8x4000xf32, #tpu.memory_space<vmem>>
      %dma_start3A_255 = tpu.memref_squeeze %dma_start3A_254 : memref<1x8x4000xf32, #tpu.memory_space<vmem>> -> memref<8x4000xf32, #tpu.memory_space<vmem>>
      %dma_start3A_256 = arith.constant 0 : i32
      %dma_start3A_257 = tpu.memref_slice %arg5[%add3A_246, %mul3A_250, %dma_start3A_256] : memref<64x128x4000xf32, #tpu.memory_space<hbm>> -> memref<1x8x4000xf32, #tpu.memory_space<hbm>>
      %dma_start3A_258 = tpu.memref_squeeze %dma_start3A_257 : memref<1x8x4000xf32, #tpu.memory_space<hbm>> -> memref<8x4000xf32, #tpu.memory_space<hbm>>
      %dma_start3A_259 = arith.constant 0 : i32
      %dma_start3A_260 = tpu.memref_slice %arg5[%add3A_246, %mul3A_250, %dma_start3A_259] : memref<64x128x4000xf32, #tpu.memory_space<hbm>> -> memref<1x8x4000xf32, #tpu.memory_space<hbm>>
      %dma_start3A_261 = tpu.memref_squeeze %dma_start3A_260 : memref<1x8x4000xf32, #tpu.memory_space<hbm>> -> memref<8x4000xf32, #tpu.memory_space<hbm>>
      %dma_start3A_262 = arith.constant 0 : i32
      %dma_start3A_263 = arith.constant 0 : i32
      %dma_start3A_264 = tpu.memref_slice %arg6[%dma_start3A_251, %dma_start3A_262, %dma_start3A_263] : memref<2x8x4000xf32, #tpu.memory_space<vmem>> -> memref<1x8x4000xf32, #tpu.memory_space<vmem>>
      %dma_start3A_265 = tpu.memref_squeeze %dma_start3A_264 : memref<1x8x4000xf32, #tpu.memory_space<vmem>> -> memref<8x4000xf32, #tpu.memory_space<vmem>>
      tpu.enqueue_dma source(%dma_start3A_265 : memref<8x4000xf32, #tpu.memory_space<vmem>>) target(%dma_start3A_261 : memref<8x4000xf32, #tpu.memory_space<hbm>>) target_semaphore(%arg12 : memref<!tpu.dma_semaphore, #tpu.memory_space<semaphore_mem>>)
    }
    %scan3A_27 = arith.constant 16 : i32
    %mul3A_28 = arith.constant 2 : i32
    %mul3A_29 = arith.muli %mul3A_28, %add3A : i32
    %div3A_30 = arith.constant 30 : i32
    %div3A_31 = arith.constant 16 : i32
    %div3A_32 = arith.divsi %div3A_30, %div3A_31 : i32
    %add3A_33 = arith.addi %mul3A_29, %div3A_32 : i32
    %rem3A_34 = arith.constant 30 : i32
    %rem3A_35 = arith.constant 16 : i32
    %rem3A_36 = arith.remsi %rem3A_34, %rem3A_35 : i32
    %mul3A_37 = arith.constant 8 : i32
    %mul3A_38 = arith.muli %rem3A_36, %mul3A_37 : i32
    %dma_wait3A = arith.constant 0 : i32
    %dma_wait3A_39 = arith.constant 0 : i32
    %dma_wait3A_40 = arith.constant 0 : i32
    %dma_wait3A_41 = tpu.memref_slice %arg6[%dma_wait3A, %dma_wait3A_39, %dma_wait3A_40] : memref<2x8x4000xf32, #tpu.memory_space<vmem>> -> memref<1x8x4000xf32, #tpu.memory_space<vmem>>
    %dma_wait3A_42 = tpu.memref_squeeze %dma_wait3A_41 : memref<1x8x4000xf32, #tpu.memory_space<vmem>> -> memref<8x4000xf32, #tpu.memory_space<vmem>>
    %dma_wait3A_43 = arith.constant 0 : i32
    %dma_wait3A_44 = tpu.memref_slice %arg5[%add3A_33, %mul3A_38, %dma_wait3A_43] : memref<64x128x4000xf32, #tpu.memory_space<hbm>> -> memref<1x8x4000xf32, #tpu.memory_space<hbm>>
    %dma_wait3A_45 = tpu.memref_squeeze %dma_wait3A_44 : memref<1x8x4000xf32, #tpu.memory_space<hbm>> -> memref<8x4000xf32, #tpu.memory_space<hbm>>
    %dma_wait3A_46 = arith.constant 0 : i32
    %dma_wait3A_47 = tpu.memref_slice %arg5[%add3A_33, %mul3A_38, %dma_wait3A_46] : memref<64x128x4000xf32, #tpu.memory_space<hbm>> -> memref<1x8x4000xf32, #tpu.memory_space<hbm>>
    %dma_wait3A_48 = tpu.memref_squeeze %dma_wait3A_47 : memref<1x8x4000xf32, #tpu.memory_space<hbm>> -> memref<8x4000xf32, #tpu.memory_space<hbm>>
    %dma_wait3A_49 = arith.constant 0 : i32
    %dma_wait3A_50 = arith.constant 0 : i32
    %dma_wait3A_51 = tpu.memref_slice %arg6[%dma_wait3A, %dma_wait3A_49, %dma_wait3A_50] : memref<2x8x4000xf32, #tpu.memory_space<vmem>> -> memref<1x8x4000xf32, #tpu.memory_space<vmem>>
    %dma_wait3A_52 = tpu.memref_squeeze %dma_wait3A_51 : memref<1x8x4000xf32, #tpu.memory_space<vmem>> -> memref<8x4000xf32, #tpu.memory_space<vmem>>
    tpu.wait_dma2 semaphore(%arg11 : memref<!tpu.dma_semaphore, #tpu.memory_space<semaphore_mem>>) src(%dma_wait3A_52 : memref<8x4000xf32, #tpu.memory_space<vmem>>) dst(%dma_wait3A_48 : memref<8x4000xf32, #tpu.memory_space<hbm>>)
    %mul3A_53 = arith.constant 2 : i32
    %mul3A_54 = arith.muli %mul3A_53, %add3A : i32
    %div3A_55 = arith.constant 31 : i32
    %div3A_56 = arith.constant 16 : i32
    %div3A_57 = arith.divsi %div3A_55, %div3A_56 : i32
    %add3A_58 = arith.addi %mul3A_54, %div3A_57 : i32
    %rem3A_59 = arith.constant 31 : i32
    %rem3A_60 = arith.constant 16 : i32
    %rem3A_61 = arith.remsi %rem3A_59, %rem3A_60 : i32
    %mul3A_62 = arith.constant 8 : i32
    %mul3A_63 = arith.muli %rem3A_61, %mul3A_62 : i32
    %dma_wait3A_64 = arith.constant 1 : i32
    %dma_wait3A_65 = arith.constant 0 : i32
    %dma_wait3A_66 = arith.constant 0 : i32
    %dma_wait3A_67 = tpu.memref_slice %arg6[%dma_wait3A_64, %dma_wait3A_65, %dma_wait3A_66] : memref<2x8x4000xf32, #tpu.memory_space<vmem>> -> memref<1x8x4000xf32, #tpu.memory_space<vmem>>
    %dma_wait3A_68 = tpu.memref_squeeze %dma_wait3A_67 : memref<1x8x4000xf32, #tpu.memory_space<vmem>> -> memref<8x4000xf32, #tpu.memory_space<vmem>>
    %dma_wait3A_69 = arith.constant 0 : i32
    %dma_wait3A_70 = tpu.memref_slice %arg5[%add3A_58, %mul3A_63, %dma_wait3A_69] : memref<64x128x4000xf32, #tpu.memory_space<hbm>> -> memref<1x8x4000xf32, #tpu.memory_space<hbm>>
    %dma_wait3A_71 = tpu.memref_squeeze %dma_wait3A_70 : memref<1x8x4000xf32, #tpu.memory_space<hbm>> -> memref<8x4000xf32, #tpu.memory_space<hbm>>
    %dma_wait3A_72 = arith.constant 0 : i32
    %dma_wait3A_73 = tpu.memref_slice %arg5[%add3A_58, %mul3A_63, %dma_wait3A_72] : memref<64x128x4000xf32, #tpu.memory_space<hbm>> -> memref<1x8x4000xf32, #tpu.memory_space<hbm>>
    %dma_wait3A_74 = tpu.memref_squeeze %dma_wait3A_73 : memref<1x8x4000xf32, #tpu.memory_space<hbm>> -> memref<8x4000xf32, #tpu.memory_space<hbm>>
    %dma_wait3A_75 = arith.constant 0 : i32
    %dma_wait3A_76 = arith.constant 0 : i32
    %dma_wait3A_77 = tpu.memref_slice %arg6[%dma_wait3A_64, %dma_wait3A_75, %dma_wait3A_76] : memref<2x8x4000xf32, #tpu.memory_space<vmem>> -> memref<1x8x4000xf32, #tpu.memory_space<vmem>>
    %dma_wait3A_78 = tpu.memref_squeeze %dma_wait3A_77 : memref<1x8x4000xf32, #tpu.memory_space<vmem>> -> memref<8x4000xf32, #tpu.memory_space<vmem>>
    tpu.wait_dma2 semaphore(%arg12 : memref<!tpu.dma_semaphore, #tpu.memory_space<semaphore_mem>>) src(%dma_wait3A_78 : memref<8x4000xf32, #tpu.memory_space<vmem>>) dst(%dma_wait3A_74 : memref<8x4000xf32, #tpu.memory_space<hbm>>)
    return
  }
}

</mosaic_0001>

<sc_bundles>
// kernel: kernel.3.cloned.1.call-start
scs
__scs_entry_jumppad:
0x0: {  	(pc) =	sbr.rel $0x88, $3  }
0x1: {  	(tag) =	ssettag $0x0;
	lr =	simm.s32 $0x1  }
0x2: {  	[smem:$0x3FA0] =	sst lr;
	_ =	strace $0xD0000000  }
0x3: {  	_ = 	snop  }
0x4: {  	_ = 	snop  }
0x5: {  	_ = 	snop  }
0x6: {  	_ = 	snop  }
0x7: {  	_ = 	snop  }
__scs_overlays_trampoline_lowered:
0x8: {  	[smem:$0x3FAF] =	sst s0  }
0x9: {  	[smem:$0x3FB0] =	sst s1  }
0xa: {  	[smem:$0x3FB1] =	sst s2  }
0xb: {  	[smem:$0x3FB2] =	sst s3  }
0xc: {  	[smem:$0x3FB3] =	sst s4  }
0xd: {  	[smem:$0x3FB4] =	sst s5  }
0xe: {  	[smem:$0x3FB5] =	sst s6  }
0xf: {  	[smem:$0x3FB6] =	sst s7  }
0x10: {  	[smem:$0x3FB7] =	sst s8  }
0x11: {  	[smem:$0x3FB8] =	sst s9;
	s0 =	simm.s32 @!p0 $0x0  }
0x12: {  	s1 =	sld [smem:$0x3F9E];
	s0 =	simm.s32 @p0 $0x1  }
0x13: {  	[smem:$0x3FB9] =	sst s0;
	s0 =	simm.s32 @!p1 $0x0  }
0x14: {  	s2 =	sld [smem:$0x3F9D];
	s0 =	simm.s32 @p1 $0x1  }
0x15: {  	[smem:$0x3FBA] =	sst s0;
	s0 =	simm.s32 @!p2 $0x0  }
0x16: {  	s3 =	sld [smem:$0x3FDB];
	s0 =	simm.s32 @p2 $0x1  }
0x17: {  	s4 =	simm.s32 $0x1BF5;
	[smem:$0x3FBC] =	sst s0  }
0x18: {  	s0 =	sld [smem:$0x3F9F];
	_ =	swait.ge [sflag:s4], $0x0  }
0x19: {  	s7 =	sld [smem:$0x3FA0]  }
0x1a: {  	s8 =	sadd.s32 $0xFFFFE003, lr  }
0x1b: {  	s9 =	sadd.s32 $0xFFFFFEF7, lr;
	s5 =	simm.s32 $0xFFFFFFFF;
	p2 =	slt.u32 s8, $0xFFFFF086  }
0x1c: {  	p1 =	slt.u32 s9, $0xF7A;
	s5 =	simm.s32 @!p2 $0x0  }
0x1d: {  	s5 =	simm.s32 @p1 $0x1;
	p0 =	seq.s32 s7, s2  }
0x1e: {  	s7 =	smul.u32 @!p0 $0xF7A, s2;
	p2 =	seq.s32 @!p0 s5, $0x0  }
0x1f: {  	s9 =	smul.u32 $0xF7A, s1;
	s8 =	simm.s32 @!p0 $0x1BF5;
	p2 =	por !p2, p0  }
0x20: {  	[sflag:s8] =	ssyncset.s32 @!p0 $0xFFFFF086;
	s6 =	sadd.s32 @!p0 s3, s7;
	s7 =	simm.s32 @!p0 $0x108  }
0x21: {  	s3 =	sadd.s32 s3, s9;
	s6 =	sadd.s32 @!p0 $0x88, s6;
	s7 =	simm.s32 @p2 $0x1082  }
0x22: {  	[simem:s7], [sflag:s8] =	dma.local @!p0 [hbm:s6], $0xF7A  }
0x23: {  	s9 =	sor.u32 $0xD0000000, s2;
	s6 =	simm.s32 $0x108;
	_ =	swait.ge @!p0 [sflag:s8], $0x0  }
0x24: {  	s3 =	sadd.s32 $0x88, s3;
	s6 =	simm.s32 @!p1 $0x1082;
	[sflag:s4] =	ssyncset.s32 $0xFFFFF086  }
0x25: {  	[simem:s6], [sflag:s4] =	dma.local [hbm:s3], $0xF7A  }
0x26: {  	[smem:$0x3FA0] =	sst s1;
	(tag) =	ssettag s2;
	_ =	strace s9  }
0x27: {  	s1 =	sld [smem:$0x3FB0]  }
0x28: {  	s2 =	sld [smem:$0x3FB1]  }
0x29: {  	s4 =	sld [smem:$0x3FB3]  }
0x2a: {  	p0 =	seq.s32 s5, $0x0;
	s5 =	sld [smem:$0x3FB4]  }
0x2b: {  	s6 =	sld [smem:$0x3FB5]  }
0x2c: {  	s7 =	sld [smem:$0x3FB6]  }
0x2d: {  	s3 =	simm.s32 $0x108;
	s8 =	sld [smem:$0x3FB7]  }
0x2e: {  	s3 =	simm.s32 @!p0 $0x1082;
	s9 =	sld [smem:$0x3FB8]  }
0x2f: {  	lr =	sadd.s32 s0, s3;
	s0 =	sld [smem:$0x3FAF]  }
0x30: {  	s3 =	sld [smem:$0x3FB2]  }
0x31: {  	[smem:$0x3FBB] =	sst s10  }
0x32: {  	s10 =	sld [smem:$0x3FB9];
	_ =	sdelay $0x3  }
0x33: {  	p0 =	seq.s32 s10, $0x1;
	s10 =	sld [smem:$0x3FBB];
	_ =	sdelay $0x3  }
0x34: {  	[smem:$0x3FBB] =	sst s10  }
0x35: {  	s10 =	sld [smem:$0x3FBA];
	_ =	sdelay $0x3  }
0x36: {  	p1 =	seq.s32 s10, $0x1;
	s10 =	sld [smem:$0x3FBB];
	_ =	sdelay $0x3  }
0x37: {  	[smem:$0x3FBB] =	sst s10  }
0x38: {  	s10 =	sld [smem:$0x3FBC]  }
0x39: {  	_ = 	snop;
	(pc) =	sbr.ind lr, $3  }
0x3a: {  	_ = 	snop  }
0x3b: {  	_ = 	snop  }
0x3c: {  	p2 =	seq.s32 s10, $0x1;
	s10 =	sld [smem:$0x3FBB]  }
0x3d: {  	_ =	shalt  }
0x3e: {  	_ =	shalt  }
0x3f: {  	_ =	shalt  }
0x40: {  	_ =	shalt  }
0x41: {  	_ =	shalt  }
0x42: {  	_ =	shalt  }
0x43: {  	_ =	shalt  }
0x44: {  	_ =	shalt  }
0x45: {  	_ =	shalt  }
0x46: {  	_ =	shalt  }
0x47: {  	_ =	shalt  }
0x48: {  	_ =	shalt  }
0x49: {  	_ =	shalt  }
0x4a: {  	_ =	shalt  }
0x4b: {  	_ =	shalt  }
0x4c: {  	_ =	shalt  }
0x4d: {  	_ =	shalt  }
0x4e: {  	_ =	shalt  }
0x4f: {  	_ =	shalt  }
0x50: {  	_ =	shalt  }
0x51: {  	_ =	shalt  }
0x52: {  	_ =	shalt  }
0x53: {  	_ =	shalt  }
0x54: {  	_ =	shalt  }
0x55: {  	_ =	shalt  }
0x56: {  	_ =	shalt  }
0x57: {  	_ =	shalt  }
0x58: {  	_ =	shalt  }
0x59: {  	_ =	shalt  }
0x5a: {  	_ =	shalt  }
0x5b: {  	_ =	shalt  }
0x5c: {  	_ =	shalt  }
0x5d: {  	_ =	shalt  }
0x5e: {  	_ =	shalt  }
0x5f: {  	_ =	shalt  }
0x60: {  	_ =	shalt  }
0x61: {  	_ =	shalt  }
0x62: {  	_ =	shalt  }
0x63: {  	_ =	shalt  }
0x64: {  	_ =	shalt  }
0x65: {  	_ =	shalt  }
0x66: {  	_ =	shalt  }
0x67: {  	_ =	shalt  }
0x68: {  	_ =	shalt  }
0x69: {  	_ =	shalt  }
0x6a: {  	_ =	shalt  }
0x6b: {  	_ =	shalt  }
0x6c: {  	_ =	shalt  }
0x6d: {  	_ =	shalt  }
0x6e: {  	_ =	shalt  }
0x6f: {  	_ =	shalt  }
0x70: {  	_ =	shalt  }
0x71: {  	_ =	shalt  }
0x72: {  	_ =	shalt  }
0x73: {  	_ =	shalt  }
0x74: {  	_ =	shalt  }
0x75: {  	_ =	shalt  }
0x76: {  	_ =	shalt  }
0x77: {  	_ =	shalt  }
0x78: {  	_ =	shalt  }
0x79: {  	_ =	shalt  }
0x7a: {  	_ =	shalt  }
0x7b: {  	_ =	shalt  }
0x7c: {  	_ =	shalt  }
0x7d: {  	_ =	shalt  }
0x7e: {  	_ =	shalt  }
0x7f: {  	_ =	shalt  }
0x80: {  	_ =	shalt  }
0x81: {  	_ =	shalt  }
0x82: {  	_ =	shalt  }
0x83: {  	_ =	shalt  }
0x84: {  	_ =	shalt  }
0x85: {  	_ =	shalt  }
0x86: {  	_ =	shalt  }
0x87: {  	_ =	shalt  }
.Lfunc_end0:
.L_simem_size_0:
called_computation.1_lowered:
.L_overlay_start_0:
0x88: {  	s2 =	sld [smem:$0x3FD9]  }
0x89: {  	s3 =	sld [smem:$0x3FFE];
	_ =	sdelay $0x1  }
0x8a: {  	s1 =	srdreg.scid  }
0x8b: {  	s0 =	sand.u32 $0x1, s1  }
0x8c: {  	s17 =	sshll.u32 s0, $0xA;
	s2 =	sadd.s32 s3, s2  }
0x8d: {  	s2 =	sadd.s32 s2, s17  }
0x8e: {  	[smem:$0x3FC7] =	sst s2  }
0x8f: {  	_ = 	snop  }
0x90: {  	s2 =	sld [smem:$0x3FD0];
	(tm) =	ssettm $0x1  }
0x91: {  	s18 =	sld [smem:$0x3FFB];
	_ =	sdelay $0x3  }
0x92: {  	_ =	strace s18  }
0x93: {  	s3 =	sld [smem:$0x3FFC];
	_ =	sdelay $0x3  }
0x94: {  	_ =	strace s3  }
0x95: {  	s3 =	sld [smem:$0x3FFD];
	_ =	sdelay $0x3  }
0x96: {  	_ =	strace s3  }
0x97: {  	_ =	strace $0x8FFFFFFF  }
0x98: {  	s19 =	sld [smem:$0x3FDB];
	_ =	sdelay $0x1  }
0x99: {  	s4 =	simm.s32 $_scs_section_size  }
0x9a: {  	s5 =	simm.s32 $_size__tile_overlayer_lowered;
	s6 =	simm.s32 $_tile_overlayer_lowered  }
0x9b: {  	s22 =	simm.s32 $0x1BFF;
	s21 =	sshll.u32 s6, $0x1;
	s3 =	sadd.s32 s4, s19  }
0x9c: {  	s7 =	simm.s32 $0x0;
	s20 =	sshll.u32 s5, $0x1;
	s5 =	sadd.s32 s21, s3  }
0x9d: {  	[timem:s7], [sflag:s22] =	dma.local [hbm:s5], s20  }
0x9e: {  	_ =	swait.ge [sflag:s22], s20  }
0x9f: {  	s4 =	ssub.s32 $0x0, s20;
	[sflag:s22] =	ssyncset.done $0x0  }
0xa0: {  	[sflag:s22] =	ssyncadd.s32 s4;
	_ =	sdelay $0x1  }
0xa1: {  	s23 =	simm.s32 $0x1B8B  }
0xa2: {  	_ =	swait.ge [sflag:s23], $0x1  }
0xa3: {  	[sflag:s23] =	ssyncset.done $0x0  }
0xa4: {  	s25 =	simm.s32 $0x1B8E;
	s24 =	sld [smem:$0x3FFE];
	[sflag:s23] =	ssyncadd.s32 $0xFFFFFFFF  }
0xa5: {  	s26 =	simm.s32 $execute0_lowered;
	[smem:$0x3FD2] =	sst s25  }
0xa6: {  	s5 =	sshll.u32 s26, $0x1;
	_ =	strace $0x80000046;
	[dreg:$0x1] =	wrdreg $0xFFFFFFFF  }
0xa7: {  	s28 =	simm.s32 $_size_execute0_lowered;
	s3 =	sadd.s32 s3, s5;
	[dreg:$0x0] =	wrdreg $0x0  }
0xa8: {  	s5 =	sshll.u32 s28, $0x1;
	[dreg:$0x2] =	wrdreg s3  }
0xa9: {  	[dreg:$0x3] =	wrdreg s5  }
0xaa: {  	[dreg:$0x4] =	wrdreg $0xC0  }
0xab: {  	_ =	task [dreg:s7], $0x5FFFF  }
0xac: {  	[dreg:$0x1] =	wrdreg $0xFFFFFFFF  }
0xad: {  	[dreg:$0x0] =	wrdreg $0x60  }
0xae: {  	[dreg:$0x2] =	wrdreg s24  }
0xaf: {  	[dreg:$0x3] =	wrdreg s2  }
0xb0: {  	[dreg:$0x4] =	wrdreg $0x9  }
0xb1: {  	_ =	task.clear_ibuf [dreg:s7], $0x5FFFF;
	_ =	strace $0x90000046  }
0xb2: {  	s29 =	simm.s32 $0x9;
	_ =	strace $0x80000048  }
0xb3: {  	_ =	swait.ge [sflag:s29], $0x1  }
0xb4: {  	[sflag:s29] =	ssyncadd.s32 $0xFFFFFFFF  }
0xb5: {  	_ =	strace $0x90000048  }
0xb6: {  	_ =	sfence  }
0xb7: {  	s30 =	sld [smem:$0x0];
	_ =	sdelay $0x2  }
0xb8: {  	s31 =	sshll.u32 s1, $0xD;
	s1 =	sshrl.u32 s1, $0x2  }
0xb9: {  	s3 =	sand.u32 $0x4000, s31;
	s1 =	sadd.s32 s1, s30  }
0xba: {  	s0 =	sor.u32 s3, s0;
	s1 =	sshll.u32 s1, $0x11  }
0xbb: {  	s0 =	sor.u32 s1, s0  }
0xbc: {  	s0 =	sadd.s32 $0x8F2B, s0  }
0xbd: {  	[sflag:s0] =	ssyncadd.remote.s32 $0x1  }
0xbe: {  	_ =	sfence.sel $0xFFFF  }
0xbf: {  	[dreg:$0x0] =	wrdreg $0xFFFFFFFF;
	(pc) =	sbr.abs _section_cstart, $3  }
0xc0: {  	[dreg:$0x1] =	wrdreg $0xFFFFFFFF  }
0xc1: {  	_ =	task.clear_ibuf [dreg:s7], $0x2FFFF;
	_ =	strace $0x9FFFFFFF  }
0xc2: {  	(tm) =	ssettm $0x7FFFFFFF  }
0xc3: {  	_ =	shalt  }
tec
execute0_lowered:
.L_overlay_start_1:
0x0: {  	(tag) =	ssettag $0x1  }
0x1: {  	s0 =	rddreg [dreg:$0x0];
	s3 =	simm.s32 $0x0  }
0x2: {  	s1 =	srdreg.scid;
	s4 =	stileid.u32;
	s11 =	simm.s32 $0x5  }
0x3: {  	s13 =	simm.s32 $0x8000;
	s14 =	simm.s32 $0x1;
	s15 =	simm.s32 $0x2  }
0x4: {  	s16 =	simm.s32 $0x3;
	s17 =	simm.s32 $0x4;
	s18 =	simm.s32 $0x0  }
0x5: {  	[smem:$0x7FF] =	sst s3;
	s1 =	sand.u32 $0x1, s1;
	s5 =	sshll.u32 s4, $0x2  }
.Ltmp0:
0x6: {  	s2 =	ssub.s32 $0x2, s1;
	s1 =	sshll.u32 s1, $0x1;
	(pc) =	sbr.rel .LBB2_1-.Ltmp0, $4  }
0x7: {  	s4 =	sadd.s32 $0x1A00, s0;
	s28 =	sadd.s32 $0x1800, s0;
	s5 =	sor.u32 s1, s5  }
0x8: {  	_ =	strace $0x80000047;
	s7 =	sshrl.u32 s2, $0x1;
	s30 =	sshll.u32 s5, $0x10  }
0x9: {  	[dreg:$0x3] =	wrdreg s28;
	s29 =	ssub.s32 s2, s7;
	s31 =	sadd.s32 s4, s30  }
0xa: {  	v0 =	vlaneseq.u32;
	v1 =	vimm.f32 $0.0e+00;
	s7 =	sadd.s32 $0x401A00, s0;
	s9 =	smax.u32 s29, $0x1;
	[dreg:$0x4] =	wrdreg s31  }
.LBB2_19:
0xb: {  	s18 =	sadd.s32 $0x1, s18  }
0xc: {  	_ =	swait.ge [sflag:s16], $0x8000;
	p0 =	sne.s32 s18, s9  }
.Ltmp1:
0xd: {  	[sflag:s16] =	ssyncset.done $0x0;
	(pc) =	sbr.rel @!p0 .LBB2_20-.Ltmp1, $4  }
0xe: {  	[sflag:s16] =	ssyncadd.s32 $0xFFFF8000  }
0xf: {  	_ =	swait.ge [sflag:s17], $0x8000  }
0x10: {  	[sflag:s17] =	ssyncset.done $0x0  }
0x11: {  	[sflag:s17] =	ssyncadd.s32 $0xFFFF8000  }
.LBB2_1:
0x12: {  	s0 =	rddreg [dreg:$0x1];
	s1 =	simm.s32 $0x10000  }
0x13: {  	[tilespmem:s1], [sflag:$0x5] =	stream.linear.gather [hbm4b:s0+s3], $0x80, $0x38;
	[tilespmem:$0x10100] =	vst v63  }
0x14: {  	_ =	swait.ge [sflag:s11], $0x80  }
0x15: {  	[sflag:s11] =	ssyncset.done $0x0  }
0x16: {  	s30 =	simm.s32 $0x10080;
	s29 =	rddreg [dreg:$0x3];
	[sflag:s11] =	ssyncadd.s32 $0xFFFFFF80  }
0x17: {  	[tilespmem:s30], [sflag:$0x5] =	stream.linear.gather [hbm4b:s29+s3], $0x80, $0x38;
	[tilespmem:$0x10100] =	vst v63  }
.Ltmp2:
0x18: {  	_ = 	snop;
	(pc) =	sbr.rel .LBB2_2-.Ltmp2, $4  }
0x19: {  	_ =	swait.ge [sflag:s11], $0x80  }
0x1a: {  	[sflag:s11] =	ssyncset.done $0x0  }
0x1b: {  	s19 =	simm.s32 $0x0;
	s31 =	rddreg [dreg:$0x4];
	[sflag:s11] =	ssyncadd.s32 $0xFFFFFF80  }
0x1c: {  	[tilespmem:s3], [sflag:$0x1] =	stream.linear.gather [hbm4b:s31+s3], $0x8000, $0x38;
	[tilespmem:$0x10100] =	vst v63  }
.LBB2_18:
0x1d: {  	s19 =	sadd.s32 $0x1, s19  }
0x1e: {  	p0 =	sne.s32 s19, $0x10  }
.Ltmp3:
0x1f: {  	_ = 	snop;
	(pc) =	sbr.rel @!p0 .LBB2_19-.Ltmp3, $4  }
0x20: {  	_ = 	snop  }
0x21: {  	s0 =	sshll.u32 s21, $0xC;
	s1 =	sadd.s32 s7, s20  }
0x22: {  	s0 =	sadd.s32 s0, s1  }
0x23: {  	[hbm4b:s0+s3] =	stream.linear.scatter [tilespmem:s13], [sflag:$0x4], $0x8000, $0x38;
	[tilespmem:$0x10100] =	vst v63  }
.LBB2_2:
0x24: {  	p0 =	seq.s32 s19, $0x0;
	s0 =	sshrl.u32 s19, $0x3  }
0x25: {  	s21 =	sshllo.u32 s19, $0x1;
	s1 =	simm.s32 @!p0 $0x4;
	s22 =	sor.u32 s5, s0  }
0x26: {  	s25 =	sshll.u32 s21, $0xC;
	_ =	swait.ge @!p0 [sflag:s1], $0x8000;
	s20 =	sshll.u32 s22, $0x10  }
0x27: {  	s0 =	sand.u32 $0xF000, s25;
	[sflag:s1] =	ssyncset.done @!p0 $0x0;
	s2 =	sadd.s32 s4, s20  }
0x28: {  	s23 =	simm.s32 $0x0;
	[sflag:s1] =	ssyncadd.s32 @!p0 $0xFFFF8000;
	s0 =	sadd.s32 s0, s2  }
0x29: {  	[tilespmem:s13], [sflag:$0x2] =	stream.linear.gather [hbm4b:s0+s23], $0x8000, $0x38;
	[tilespmem:$0x10100] =	vst v63  }
0x2a: {  	_ =	swait.ge [sflag:s14], $0x8000  }
0x2b: {  	[sflag:s14] =	ssyncset.done $0x0  }
0x2c: {  	[sflag:s14] =	ssyncadd.s32 $0xFFFF8000  }
0x2d: {  	v2 =	vld [tilespmem:s22+$0x10000];
	_ =	sdelay $0x3  }
0x2e: {  	v3 =	vld [tilespmem:s22+$0x10080]  }
0x2f: {  	(v2sf) =	vpush v2, $0x0;
	_ =	sdelay $0x3  }
0x30: {  	(v2sf) =	vpush v3, $0x0;
	_ =	sdelay $0xa  }
0x31: {  	s26 =	spop (v2sf)  }
0x32: {  	s1 =	sadd.s32 $0x190, s26  }
0x33: {  	s24 =	sshll.u32 s19, $0x1;
	s31 =	sshra.s32 s26, $0x1F;
	s10 =	sshra.s32 s1, $0x1F  }
0x34: {  	s25 =	sand.u32 $0xE, s24;
	s2 =	sshrl.u32 s31, $0x1C;
	s10 =	sshrl.u32 s10, $0x1C  }
0x35: {  	s28 =	spop (v2sf);
	s0 =	sadd.s32 s2, s26;
	s2 =	sadd.s32 s10, s1  }
0x36: {  	p1 =	sgt.s32 s1, $0xF9F;
	s10 =	sand.u32 $0xFFFFFFF0, s0;
	s12 =	sand.u32 $0xFFFFFFF0, s2  }
0x37: {  	s30 =	sshll.u32 s0, $0x3;
	s0 =	sand.u32 $0x70, s0;
	s29 =	ssub.s32 s12, s10  }
.Ltmp4:
0x38: {  	v2 =	vbroadcast v2, $0x0;
	s31 =	sshra.s32 s29, $0x4;
	s29 =	sand.u32 $0xFFFFFC00, s30;
	(pc) =	sbr.rel .LBB2_3-.Ltmp4, $4  }
0x39: {  	s26 =	sshll.u32 s25, $0x3;
	v3 =	vor.u32 s10, v0;
	s8 =	sor.u32 s0, s29;
	s0 =	sshll.u32 s2, $0x3  }
0x3a: {  	s6 =	sand.u32 $0xFFFFFF80, s30;
	vm0 =	vge.s32 v3, v2;
	vm1 =	vlt.s32 v3, s1;
	v3 =	vor.u32 s12, v0;
	s2 =	sand.u32 $0x70, s2;
	s0 =	sand.u32 $0xFFFFFC00, s0  }
0x3b: {  	s12 =	sadd.s32 $0x80, s6;
	vm0 =	vmand vm0, vm1;
	vm1 =	vge.s32 v3, v2;
	vm2 =	vlt.s32 v3, s1;
	s29 =	sadd.s32 $0xC, s28;
	s2 =	sor.u32 s2, s0  }
0x3c: {  	s30 =	sadd.s32 $0xFFFFFFFF, s31;
	vm1 =	vmand vm1, vm2;
	p0 =	slt.s32 s31, $0x2;
	v2 =	vmov s8;
	s0 =	sadd.s32 $0x10, s10;
	v3 =	vmov s2  }
.LBB2_9:
0x3d: {  	s23 =	sadd.s32 $0x1, s23  }
0x3e: {  	p2 =	sne.s32 s23, $0x8  }
.Ltmp5:
0x3f: {  	_ = 	snop;
	(pc) =	sbr.rel @!p2 .LBB2_10-.Ltmp5, $1  }
0x40: {  	_ =	sdelay $0x3  }
.LBB2_3:
0x41: {  	_ =	sdelay $0x2  }
0x42: {  	s2 =	sshll.u32 s23, $0x7  }
0x43: {  	v4 =	vld.idx.msk [tilespmem:v2+s2+$0x0 ss:$0x1], $0xffff;
	_ =	sdelay $0x1  }
.Ltmp6:
0x44: {  	_ = 	snop;
	(pc) =	sbr.rel @p0 .LBB2_6-.Ltmp6, $3  }
0x45: {  	_ =	sdelay $0x1  }
0x46: {  	v4 =	vsel vm0, $0x0, v4  }
0x47: {  	[tilespmem:v2+s2+$0x0 ss:$0x1] =	vst.idx.msk $0xffff, v4  }
0x48: {  	p2 =	sne.s32 s30, $0x1  }
.Ltmp7:
0x49: {  	_ = 	snop;
	(pc) =	sbr.rel @!p2 .LBB2_6-.Ltmp7, $4  }
0x4a: {  	s1 =	sand.u32 $0x70, s0;
	s6 =	sand.u32 $0xFFFFFC00, s12  }
0x4b: {  	s1 =	sor.u32 s1, s6  }
0x4c: {  	s6 =	sadd.s32 s2, s1  }
0x4d: {  	s10 =	sadd.s32 $0x10, s0;
	s31 =	smov.u32 s12;
	s1 =	sadd.s32 $0xFFFFFFFF, s30;
	[tilespmem:s6+$0x0] =	vst v1  }
.LBB2_5:
0x4e: {  	s6 =	sand.u32 $0x70, s10;
	s31 =	sadd.s32 $0x80, s31;
	p2 =	sne.s32 s1, $0x1  }
.Ltmp8:
0x4f: {  	s1 =	sadd.s32 $0xFFFFFFFF, s1;
	s8 =	sand.u32 $0xFFFFFC00, s31;
	(pc) =	sbr.rel @p2 .LBB2_5-.Ltmp8, $4  }
0x50: {  	s6 =	sor.u32 s6, s8  }
0x51: {  	s6 =	sadd.s32 s2, s6  }
0x52: {  	[tilespmem:s6+$0x0] =	vst v1  }
0x53: {  	s10 =	sadd.s32 $0x10, s10  }
.LBB2_6:
0x54: {  	_ =	sdelay $0x1  }
0x55: {  	s1 =	sadd.s32 s26, s23  }
0x56: {  	p2 =	slt.s32 s1, s28  }
0x57: {  	v4 =	vld.idx.msk @!p1 [tilespmem:v3+s2+$0x0 ss:$0x1], $0xffff;
	p3 =	sge.s32 @!p2 s1, s29  }
0x58: {  	p2 =	por p2, p3  }
.Ltmp9:
0x59: {  	_ = 	snop;
	(pc) =	sbr.rel @p2 .LBB2_9-.Ltmp9, $3  }
0x5a: {  	_ =	sdelay $0x1  }
0x5b: {  	v4 =	vsel @!p1 vm1, $0x0, v4  }
0x5c: {  	s1 =	simm.s32 $0x0;
	[tilespmem:v3+s2+$0x0 ss:$0x1] =	vst.idx.msk @!p1 $0xffff, v4  }
0x5d: {  	s6 =	sand.u32 $0x70, s1;
	s8 =	sand.u32 $0x7C00, s1  }
0x5e: {  	s6 =	sor.u32 s6, s8  }
0x5f: {  	s6 =	sadd.s32 s2, s6  }
0x60: {  	s10 =	sadd.s32 $0x10, s1;
	[tilespmem:s6+$0x0] =	vst v1  }
.LBB2_8:
0x61: {  	p2 =	sne.s32 s10, $0xF90  }
.Ltmp10:
0x62: {  	s6 =	sand.u32 $0x70, s10;
	s1 =	sadd.s32 $0x80, s1;
	(pc) =	sbr.rel @p2 .LBB2_8-.Ltmp10, $4  }
0x63: {  	s10 =	sadd.s32 $0x10, s10;
	s8 =	sand.u32 $0x7C00, s1  }
0x64: {  	s6 =	sor.u32 s6, s8  }
0x65: {  	s6 =	sadd.s32 s2, s6  }
0x66: {  	[tilespmem:s6+$0x0] =	vst v1  }
.Ltmp11:
0x67: {  	_ = 	snop;
	(pc) =	sbr.rel .LBB2_9-.Ltmp11, $1  }
0x68: {  	_ =	sdelay $0x3  }
.LBB2_10:
0x69: {  	s0 =	sshll.u32 s25, $0xC  }
0x6a: {  	s0 =	sadd.s32 s7, s0  }
0x6b: {  	p0 =	seq.s32 s19, $0xF;
	s0 =	sadd.s32 s20, s0  }
0x6c: {  	[hbm4b:s0+s3] =	stream.linear.scatter [tilespmem:s3], [sflag:$0x3], $0x8000, $0x38;
	[tilespmem:$0x10100] =	vst v63  }
0x6d: {  	s0 =	sadd.s32 @!p0 $0x2, s24  }
0x6e: {  	s1 =	simm.s32 @!p0 $0x3;
	s2 =	sshrl.u32 @!p0 s0, $0x4;
	s0 =	sshll.u32 @!p0 s0, $0xC  }
0x6f: {  	_ =	swait.ge @!p0 [sflag:s1], $0x8000;
	s2 =	sadd.s32 @!p0 s5, s2;
	s0 =	sand.u32 @!p0 $0xE000, s0  }
0x70: {  	[sflag:s1] =	ssyncset.done @!p0 $0x0;
	s2 =	sshll.u32 @!p0 s2, $0x10;
	s0 =	sadd.s32 @!p0 s4, s0  }
0x71: {  	[sflag:s1] =	ssyncadd.s32 @!p0 $0xFFFF8000;
	s1 =	simm.s32 @!p0 $0x0;
	s0 =	sadd.s32 @!p0 s2, s0  }
0x72: {  	[tilespmem:s1], [sflag:$0x1] =	stream.linear.gather @!p0 [hbm4b:s0+s1], $0x8000, $0x38;
	[tilespmem:$0x10100] =	vst v63  }
0x73: {  	_ =	swait.ge [sflag:s15], $0x8000  }
0x74: {  	[sflag:s15] =	ssyncset.done $0x0  }
0x75: {  	[sflag:s15] =	ssyncadd.s32 $0xFFFF8000  }
0x76: {  	v2 =	vld [tilespmem:s22+$0x10000];
	_ =	sdelay $0x2  }
0x77: {  	v3 =	vld [tilespmem:s22+$0x10080];
	_ =	sdelay $0x1  }
0x78: {  	(v2sf) =	vpush v2, $0x0;
	_ =	sdelay $0x2  }
0x79: {  	(v2sf) =	vpush v3, $0x0;
	_ =	sdelay $0xb  }
0x7a: {  	s24 =	spop (v2sf)  }
0x7b: {  	s21 =	sand.u32 $0xF, s21;
	s1 =	sadd.s32 $0x190, s24;
	s25 =	sshra.s32 s24, $0x1F  }
0x7c: {  	s22 =	sshll.u32 s21, $0x3;
	s6 =	sshra.s32 s1, $0x1F;
	s2 =	sshrl.u32 s25, $0x1C  }
0x7d: {  	s23 =	spop (v2sf);
	s6 =	sshrl.u32 s6, $0x1C;
	s0 =	sadd.s32 s2, s24  }
0x7e: {  	p1 =	sgt.s32 s1, $0xF9F;
	s26 =	sadd.s32 s6, s1;
	s29 =	sand.u32 $0xFFFFFFF0, s0  }
0x7f: {  	s12 =	sand.u32 $0x70, s0;
	s0 =	sshll.u32 s0, $0x3;
	s8 =	sand.u32 $0xFFFFFFF0, s26  }
0x80: {  	s30 =	sshll.u32 s26, $0x3;
	s31 =	sand.u32 $0xFFFFFC00, s0;
	s2 =	sand.u32 $0x70, s26  }
.Ltmp12:
0x81: {  	v2 =	vbroadcast v2, $0x0;
	s0 =	sand.u32 $0xFFFFFF80, s0;
	s28 =	sadd.s32 $0x10, s29;
	(pc) =	sbr.rel .LBB2_11-.Ltmp12, $4  }
0x82: {  	v3 =	vor.u32 s29, v0;
	s10 =	ssub.s32 s8, s29;
	s24 =	sand.u32 $0xFFFFFC00, s30;
	s12 =	sor.u32 s12, s31  }
0x83: {  	vm0 =	vge.s32 v3, v2;
	vm1 =	vlt.s32 v3, s1;
	v3 =	vor.u32 s8, v0;
	s26 =	sadd.s32 $0x80, s0;
	s0 =	simm.s32 $0x0;
	s2 =	sor.u32 s2, s24  }
0x84: {  	s10 =	sshra.s32 s10, $0x4;
	s12 =	sadd.s32 $0x8000, s12;
	vm0 =	vmand vm0, vm1;
	vm1 =	vge.s32 v3, v2;
	vm2 =	vlt.s32 v3, s1;
	s2 =	sadd.s32 $0x8000, s2  }
0x85: {  	s24 =	sadd.s32 $0xC, s23;
	s25 =	sadd.s32 $0xFFFFFFFF, s10;
	vm1 =	vmand vm1, vm2;
	p0 =	slt.s32 s10, $0x2;
	v2 =	vmov s12;
	v3 =	vmov s2  }
.LBB2_17:
0x86: {  	s0 =	sadd.s32 $0x1, s0  }
0x87: {  	p2 =	sne.s32 s0, $0x8  }
.Ltmp13:
0x88: {  	_ = 	snop;
	(pc) =	sbr.rel @!p2 .LBB2_18-.Ltmp13, $1  }
0x89: {  	_ =	sdelay $0x3  }
.LBB2_11:
0x8a: {  	_ =	sdelay $0x2  }
0x8b: {  	s2 =	sshll.u32 s0, $0x7  }
0x8c: {  	v4 =	vld.idx.msk [tilespmem:v2+s2+$0x0 ss:$0x1], $0xffff;
	_ =	sdelay $0x1  }
.Ltmp14:
0x8d: {  	_ = 	snop;
	(pc) =	sbr.rel @p0 .LBB2_14-.Ltmp14, $3  }
0x8e: {  	_ =	sdelay $0x1  }
0x8f: {  	v4 =	vsel vm0, $0x0, v4  }
0x90: {  	[tilespmem:v2+s2+$0x0 ss:$0x1] =	vst.idx.msk $0xffff, v4  }
0x91: {  	p2 =	sne.s32 s25, $0x1  }
.Ltmp15:
0x92: {  	_ = 	snop;
	(pc) =	sbr.rel @!p2 .LBB2_14-.Ltmp15, $4  }
0x93: {  	s1 =	sand.u32 $0x70, s28;
	s6 =	sand.u32 $0xFFFFFC00, s26  }
0x94: {  	s1 =	sor.u32 s1, s6  }
0x95: {  	s6 =	sadd.s32 s2, s1  }
0x96: {  	s10 =	sadd.s32 $0x10, s28;
	s12 =	smov.u32 s26;
	s1 =	sadd.s32 $0xFFFFFFFF, s25;
	[tilespmem:s6+$0x8000] =	vst v1  }
.LBB2_13:
0x97: {  	s6 =	sand.u32 $0x70, s10;
	s12 =	sadd.s32 $0x80, s12;
	p2 =	sne.s32 s1, $0x1  }
.Ltmp16:
0x98: {  	s1 =	sadd.s32 $0xFFFFFFFF, s1;
	s8 =	sand.u32 $0xFFFFFC00, s12;
	(pc) =	sbr.rel @p2 .LBB2_13-.Ltmp16, $4  }
0x99: {  	s6 =	sor.u32 s6, s8  }
0x9a: {  	s6 =	sadd.s32 s2, s6  }
0x9b: {  	[tilespmem:s6+$0x8000] =	vst v1  }
0x9c: {  	s10 =	sadd.s32 $0x10, s10  }
.LBB2_14:
0x9d: {  	_ =	sdelay $0x1  }
0x9e: {  	s1 =	sadd.s32 s22, s0  }
0x9f: {  	p2 =	slt.s32 s1, s23  }
0xa0: {  	v4 =	vld.idx.msk @!p1 [tilespmem:v3+s2+$0x0 ss:$0x1], $0xffff;
	p3 =	sge.s32 @!p2 s1, s24  }
0xa1: {  	p2 =	por p2, p3  }
.Ltmp17:
0xa2: {  	_ = 	snop;
	(pc) =	sbr.rel @p2 .LBB2_17-.Ltmp17, $3  }
0xa3: {  	_ =	sdelay $0x1  }
0xa4: {  	v4 =	vsel @!p1 vm1, $0x0, v4  }
0xa5: {  	s1 =	simm.s32 $0x0;
	[tilespmem:v3+s2+$0x0 ss:$0x1] =	vst.idx.msk @!p1 $0xffff, v4  }
0xa6: {  	s6 =	sand.u32 $0x70, s1;
	s8 =	sand.u32 $0x7C00, s1  }
0xa7: {  	s6 =	sor.u32 s6, s8  }
0xa8: {  	s6 =	sadd.s32 s6, s2  }
0xa9: {  	s10 =	sadd.s32 $0x10, s1;
	[tilespmem:s6+$0x8000] =	vst v1  }
.LBB2_16:
0xaa: {  	p2 =	sne.s32 s10, $0xF90  }
.Ltmp18:
0xab: {  	s6 =	sand.u32 $0x70, s10;
	s1 =	sadd.s32 $0x80, s1;
	(pc) =	sbr.rel @p2 .LBB2_16-.Ltmp18, $4  }
0xac: {  	s10 =	sadd.s32 $0x10, s10;
	s8 =	sand.u32 $0x7C00, s1  }
0xad: {  	s6 =	sor.u32 s6, s8  }
0xae: {  	s6 =	sadd.s32 s6, s2  }
0xaf: {  	[tilespmem:s6+$0x8000] =	vst v1  }
.Ltmp19:
0xb0: {  	_ = 	snop;
	(pc) =	sbr.rel .LBB2_17-.Ltmp19, $1  }
0xb1: {  	_ =	sdelay $0x3  }
.LBB2_20:
0xb2: {  	_ =	sfence.sel $0x180000  }
0xb3: {  	[bflag:$0x0] =	sbarrier.arrive $0xFFFF  }
0xb4: {  	_ =	strace $0x90000047  }
0xb5: {  	s0 =	stileid.u32;
	[bflag:$0x2] =	sbarrier.arrive $0xFFFF  }
0xb6: {  	p0 =	sne.s32 s0, $0x0;
	s0 =	rddreg [dreg:$0x2]  }
0xb7: {  	s0 =	sadd.s32 @!p0 $0x100000, s0  }
0xb8: {  	[sflag:s0] =	ssyncadd.tile.s32 @!p0 $0x1;
	_ =	shalt  }
.Lfunc_end2:
_tile_overlayer_lowered:
.L_overlay_start_2:
0xb9: {  	(tag) =	ssettag $0x2  }
0xba: {  	s0 =	rddreg [dreg:$0x0];
	s2 =	stileid.u32  }
0xbb: {  	s1 =	rddreg [dreg:$0x1];
	p0 =	sne.s32 s2, $0x0  }
0xbc: {  	s3 =	rddreg [dreg:$0x2];
	[bflag:$0x3] =	sbarrier.arrive $0xFFFF;
	s2 =	simm.s32 @!p0 $0x1C05  }
0xbd: {  	[timem:s3], [sflag:s2] =	dma.local @!p0 [hbm:s0], s1  }
0xbe: {  	s0 =	simm.s32 @!p0 $0x5  }
0xbf: {  	_ =	swait.ge @!p0 [sflag:s0], s1  }
0xc0: {  	s1 =	ssub.s32 @!p0 $0x0, s1;
	[sflag:s0] =	ssyncset.done @!p0 $0x0  }
0xc1: {  	[sflag:s0] =	ssyncadd.s32 @!p0 s1  }
0xc2: {  	[bflag:$0x3] =	sbarrier.arrive $0xFFFF  }
0xc3: {  	_ =	shalt  }

// kernel: sparse-core-data-format-call.cloned.1.call-start
scs
called_computation_lowered:
.L_overlay_start_0:
0x0: {  	s2 =	sld [smem:$0x3FD9]  }
0x1: {  	s3 =	sld [smem:$0x3FFE];
	_ =	sdelay $0x1  }
0x2: {  	s1 =	srdreg.scid  }
0x3: {  	s0 =	sand.u32 $0x1, s1  }
0x4: {  	s18 =	sshll.u32 s0, $0xA;
	s2 =	sadd.s32 s3, s2  }
0x5: {  	s2 =	sadd.s32 s2, s18  }
0x6: {  	[smem:$0x3FC7] =	sst s2  }
0x7: {  	_ = 	snop  }
0x8: {  	s2 =	sld [smem:$0x3FD0];
	(tm) =	ssettm $0x1  }
0x9: {  	s19 =	sld [smem:$0x3FFB];
	_ =	sdelay $0x3  }
0xa: {  	_ =	strace s19  }
0xb: {  	s3 =	sld [smem:$0x3FFC];
	_ =	sdelay $0x3  }
0xc: {  	_ =	strace s3  }
0xd: {  	s3 =	sld [smem:$0x3FFD];
	_ =	sdelay $0x3  }
0xe: {  	_ =	strace s3  }
0xf: {  	_ =	strace $0x8FFFFFFF  }
0x10: {  	s20 =	sld [smem:$0x3FDB];
	_ =	sdelay $0x1  }
0x11: {  	s4 =	simm.s32 $_scs_section_size  }
0x12: {  	s5 =	simm.s32 $_size__tile_overlayer_lowered;
	s6 =	simm.s32 $_tile_overlayer_lowered  }
0x13: {  	s23 =	simm.s32 $0x1BFF;
	s22 =	sshll.u32 s6, $0x1;
	s3 =	sadd.s32 s4, s20  }
0x14: {  	s7 =	simm.s32 $0x0;
	s21 =	sshll.u32 s5, $0x1;
	s5 =	sadd.s32 s22, s3  }
0x15: {  	[timem:s7], [sflag:s23] =	dma.local [hbm:s5], s21  }
0x16: {  	_ =	swait.ge [sflag:s23], s21  }
0x17: {  	s4 =	ssub.s32 $0x0, s21;
	[sflag:s23] =	ssyncset.done $0x0  }
0x18: {  	[sflag:s23] =	ssyncadd.s32 s4;
	_ =	sdelay $0x1  }
0x19: {  	s24 =	simm.s32 $0x1B8B  }
0x1a: {  	_ =	swait.ge [sflag:s24], $0x1  }
0x1b: {  	[sflag:s24] =	ssyncset.done $0x0  }
0x1c: {  	s26 =	simm.s32 $0x1B8E;
	s25 =	sld [smem:$0x3FFE];
	[sflag:s24] =	ssyncadd.s32 $0xFFFFFFFF  }
0x1d: {  	s27 =	simm.s32 $execute0_lowered;
	[smem:$0x3FD2] =	sst s26  }
0x1e: {  	s5 =	sshll.u32 s27, $0x1;
	_ =	strace $0x80000049;
	[dreg:$0x1] =	wrdreg $0xFFFFFFFF  }
0x1f: {  	s28 =	simm.s32 $_size_execute0_lowered;
	s3 =	sadd.s32 s3, s5;
	[dreg:$0x0] =	wrdreg $0x0  }
0x20: {  	s5 =	sshll.u32 s28, $0x1;
	[dreg:$0x2] =	wrdreg s3  }
0x21: {  	[dreg:$0x3] =	wrdreg s5  }
0x22: {  	[dreg:$0x4] =	wrdreg $0xC0  }
0x23: {  	_ =	task [dreg:s7], $0x5FFFF  }
0x24: {  	[dreg:$0x1] =	wrdreg $0xFFFFFFFF  }
0x25: {  	[dreg:$0x0] =	wrdreg $0x60  }
0x26: {  	[dreg:$0x2] =	wrdreg s25  }
0x27: {  	[dreg:$0x3] =	wrdreg s2  }
0x28: {  	[dreg:$0x4] =	wrdreg $0x9  }
0x29: {  	_ =	task.clear_ibuf [dreg:s7], $0x5FFFF;
	_ =	strace $0x90000049  }
0x2a: {  	s29 =	simm.s32 $0x9;
	_ =	strace $0x8000004B  }
0x2b: {  	_ =	swait.ge [sflag:s29], $0x1  }
0x2c: {  	[sflag:s29] =	ssyncadd.s32 $0xFFFFFFFF  }
0x2d: {  	_ =	strace $0x9000004B  }
0x2e: {  	_ =	sfence  }
0x2f: {  	s30 =	sld [smem:$0x0];
	_ =	sdelay $0x2  }
0x30: {  	s31 =	sshll.u32 s1, $0xD;
	s1 =	sshrl.u32 s1, $0x2  }
0x31: {  	s3 =	sand.u32 $0x4000, s31;
	s1 =	sadd.s32 s1, s30  }
0x32: {  	s0 =	sor.u32 s3, s0;
	s1 =	sshll.u32 s1, $0x11  }
0x33: {  	s0 =	sor.u32 s1, s0  }
0x34: {  	s0 =	sadd.s32 $0x8F2B, s0  }
0x35: {  	[sflag:s0] =	ssyncadd.remote.s32 $0x1  }
0x36: {  	_ =	sfence.sel $0xFFFF  }
0x37: {  	[dreg:$0x0] =	wrdreg $0xFFFFFFFF;
	(pc) =	sbr.abs _section_cstart, $3  }
0x38: {  	[dreg:$0x1] =	wrdreg $0xFFFFFFFF  }
0x39: {  	_ =	task.clear_ibuf [dreg:s7], $0x2FFFF;
	_ =	strace $0x9FFFFFFF  }
0x3a: {  	(tm) =	ssettm $0x7FFFFFFF  }
0x3b: {  	_ =	shalt  }
tec
execute0_lowered:
.L_overlay_start_1:
0x0: {  	(tag) =	ssettag $0x1  }
0x1: {  	s1 =	rddreg [dreg:$0x0]  }
0x2: {  	s2 =	rddreg [dreg:$0x1]  }
0x3: {  	s0 =	rddreg [dreg:$0x2];
	_ =	strace $0x8000004A;
	s4 =	srdreg.scid  }
0x4: {  	s6 =	simm.s32 $0x2;
	s14 =	simm.s32 $0x0;
	p0 =	por $0x0, $0x0  }
0x5: {  	s13 =	simm.s32 $0x0;
	s15 =	simm.s32 $0x0;
	s8 =	simm.s32 $0x0  }
.Ltmp0:
0x6: {  	s9 =	simm.s32 $0x0;
	s10 =	simm.s32 $0x0;
	(pc) =	sbr.rel .LBB1_1-.Ltmp0, $4  }
0x7: {  	s11 =	simm.s32 $0x0;
	s3 =	sadd.s32 $0x401A00, s1;
	s5 =	sshll.u32 s4, $0x4  }
0x8: {  	s1 =	stileid.u32;
	s4 =	simm.s32 $0x1;
	s5 =	sand.u32 $0x10, s5  }
0x9: {  	s7 =	simm.s32 $0x0;
	[sflag:s4] =	ssyncpa.u1 $0x0;
	s5 =	sor.u32 s1, s5  }
0xa: {  	[sflag:s6] =	ssyncpa.u1 $0x0;
	s6 =	simm.s32 $0x0;
	s12 =	smov.u32 s5  }
.LBB1_5:
0xb: {  	p1 =	slt.u32 s7, $0x2  }
0xc: {  	p2 =	sgt.s32 @!p1 s15, $0x3F  }
0xd: {  	s16 =	smov.u32 s15;
	s17 =	sshra.s32 @!p1 s15, $0x1F;
	p2 =	por !p2, p1  }
0xe: {  	s15 =	sand.u32 @!p1 s17, s15;
	s16 =	simm.s32 @p2 $0x3F  }
0xf: {  	p3 =	sgt.s32 @!p1 s14, $0xF20;
	s15 =	ssub.s32 @!p1 s16, s15  }
0x10: {  	p3 =	por !p3, p1;
	s17 =	smov.u32 s14;
	s16 =	sadd.s32 @!p1 $0xFFFFFFC1, s15  }
0x11: {  	s15 =	ssub.s32 @!p1 $0x40, s15;
	p2 =	sgt.s32 @!p1 s16, $0x0;
	s16 =	sshra.s32 @!p1 s14, $0x1F  }
0x12: {  	s14 =	sand.u32 @!p1 s16, s14;
	s16 =	ssub.s32 @!p1 $0x0, s13;
	p2 =	por !p2, p1  }
0x13: {  	s17 =	simm.s32 @p3 $0xF20;
	s13 =	smin.u32 @!p1 s13, s16;
	s15 =	simm.s32 @!p2 $0x0  }
0x14: {  	s14 =	ssub.s32 @!p1 s17, s14;
	s17 =	smov.u32 s11;
	p2 =	sgt.s32 @!p1 s13, $0x7F  }
0x15: {  	s16 =	sadd.s32 @!p1 $0xFFFFF0E0, s14;
	s13 =	ssub.s32 @!p1 $0x80, s13;
	p2 =	por !p2, p1  }
0x16: {  	s14 =	ssub.s32 @!p1 $0xFA0, s14;
	p3 =	sgt.s32 @!p1 s16, $0x7F;
	s13 =	simm.s32 @!p2 $0x0  }
0x17: {  	s16 =	sadd.s32 $0x80, s10;
	p2 =	por !p3, p1;
	s13 =	smul.u32 @!p1 s15, s13  }
0x18: {  	s14 =	simm.s32 @!p2 $0x0;
	p2 =	sgt.s32 s16, $0xF9F;
	s15 =	sadd.s32 $0x80, s11  }
0x19: {  	s18 =	smov.u32 s12;
	s17 =	smov.u32 @p2 s15  }
0x1a: {  	s13 =	smul.u32 @!p1 s14, s13;
	p3 =	sgt.s32 s17, $0x7F;
	s14 =	sadd.s32 $0x20, s12  }
0x1b: {  	s7 =	sadd.s32 $0x1, s7;
	p0 =	por !p0, !p0;
	s18 =	smov.u32 @p3 s14  }
0x1c: {  	s19 =	simm.s32 @!p1 $0x2;
	s16 =	simm.s32 @p2 $0x0;
	p2 =	sgt.s32 s18, $0x3F  }
0x1d: {  	s15 =	smov.u32 s9;
	s18 =	smov.u32 @p2 s5;
	p2 =	sne.s32 s7, $0x42  }
.Ltmp1:
0x1e: {  	s9 =	smov.u32 s12;
	s17 =	simm.s32 @p3 $0x0;
	(pc) =	sbr.rel @!p2 .LBB1_6-.Ltmp1, $4  }
0x1f: {  	s14 =	smov.u32 s6;
	s6 =	smov.u32 s10;
	s13 =	sand.u32 @!p1 $0x3FFFFFFF, s13  }
0x20: {  	s10 =	smov.u32 s16;
	_ =	swait.ge @!p1 [sflag:s19], s13;
	s20 =	ssub.s32 @!p1 $0x0, s13  }
0x21: {  	s13 =	smov.u32 s8;
	s8 =	smov.u32 s11;
	[sflag:s19] =	ssyncset.done @!p1 $0x0  }
0x22: {  	s11 =	smov.u32 s17;
	s12 =	smov.u32 s18;
	[sflag:s19] =	ssyncadd.s32 @!p1 s20  }
.LBB1_1:
0x23: {  	p1 =	sgt.u32 s7, $0x3F  }
0x24: {  	s16 =	sxor.u32 @!p1 $0xFFFFFFFF, s7;
	s17 =	sand.u32 @!p1 $0x78, s10;
	s18 =	sshll.u32 @!p1 s11, $0xC  }
0x25: {  	s19 =	sshll.u32 @!p1 s11, $0x7;
	s20 =	sshll.u32 @!p1 s10, $0x3;
	s16 =	sshll.u32 @!p1 s16, $0xE  }
0x26: {  	s18 =	sand.u32 @!p1 $0x78000, s18;
	s19 =	sand.u32 @!p1 $0x380, s19;
	s16 =	sand.u32 @!p1 $0x4000, s16  }
0x27: {  	s18 =	sadd.s32 @!p1 s18, s20;
	s20 =	sand.u32 @!p1 $0xC00, s20;
	s17 =	sor.u32 @!p1 s19, s17  }
0x28: {  	s19 =	sshll.u32 @!p1 s12, $0x10;
	s17 =	sor.u32 @!p1 s20, s17;
	s18 =	sshrl.u32 @!p1 s18, $0x3  }
0x29: {  	s19 =	sadd.s32 @!p1 s3, s19;
	s20 =	sand.u32 @!p1 $0x7, s10;
	s18 =	sand.u32 @!p1 $0xFE00, s18  }
0x2a: {  	s17 =	sshrl.u32 @!p1 s17, $0x3;
	s18 =	sadd.s32 @!p1 s18, s19;
	s19 =	sshll.u32 @!p1 s20, $0x12  }
0x2b: {  	s17 =	sadd.s32 @!p1 s17, s18;
	s18 =	sor.u32 @!p1 $0x400, s19;
	s19 =	simm.s32 @!p1 $0x8000  }
0x2c: {  	[tilespmem:s16], [sflag:$0x1] =	stream.strided.gather @!p1 [hbm4b:s17+s18], $0x4000, s19, s18, $0x38;
	[tilespmem:$0x10100] =	vst v63  }
0x2d: {  	p1 =	seq.s32 s7, $0x0  }
0x2e: {  	p2 =	seq.s32 @!p1 s7, $0x41  }
0x2f: {  	p1 =	por p1, p2  }
.Ltmp2:
0x30: {  	_ = 	snop;
	(pc) =	sbr.rel @p1 .LBB1_5-.Ltmp2, $1  }
0x31: {  	_ =	sdelay $0x3  }
0x32: {  	s16 =	simm.s32 $0x1  }
0x33: {  	_ =	swait.ge [sflag:s4], $0x4000;
	s16 =	simm.s32 @!p0 $0x0  }
0x34: {  	[sflag:s4] =	ssyncset.done $0x0;
	s17 =	sshll.u32 s16, $0xE  }
0x35: {  	[sflag:s4] =	ssyncadd.s32 $0xFFFFC000;
	s17 =	sor.u32 $0x40, s17  }
0x36: {  	s16 =	smul.u32 $0x10200, s16;
	v0 =	vld [tilespmem:s17+$0x30]  }
0x37: {  	v1 =	vld [tilespmem:s17+$0xFFFFFFD0]  }
0x38: {  	s16 =	sshrl.u32 s16, $0x2;
	v5 =	vld [tilespmem:s17+$0xFFFFFFE0]  }
0x39: {  	v6 =	vld [tilespmem:s17+$0xFFFFFFF0];
	s19 =	sor.u32 $0x8000, s16  }
0x3a: {  	s31 =	sand.u32 $0x1, s7;
	v4 =	vld [tilespmem:s17+$0x0];
	s18 =	sadd.s32 $0x0, s19  }
0x3b: {  	v3 =	vld [tilespmem:s17+$0x10];
	s16 =	smul.u32 $0x10200, s31;
	[tilespmem:s18+$0x3870 ss:$0x81] =	vst.msk $0xffff, v0  }
0x3c: {  	v2 =	vld [tilespmem:s17+$0x20];
	[tilespmem:s18+$0x810 ss:$0x81] =	vst.msk $0xffff, v1  }
0x3d: {  	s16 =	sshrl.u32 s16, $0x2;
	v0 =	vld [tilespmem:s17+$0xFFFFFFC0];
	[tilespmem:s18+$0x1020 ss:$0x81] =	vst.msk $0xffff, v5;
	s17 =	sadd.s32 $0x80, s17  }
0x3e: {  	s20 =	simm.s32 $0x4;
	s21 =	simm.s32 $0x8;
	s16 =	sor.u32 $0x8000, s16;
	[tilespmem:s18+$0x1830 ss:$0x81] =	vst.msk $0xffff, v6;
	v1 =	vld [tilespmem:s17+$0x30]  }
.LBB1_3:
0x3f: {  	p1 =	sne.s32 s21, $0x1FC;
	v5 =	vld [tilespmem:s17+$0xFFFFFFD0];
	[tilespmem:s18+$0x2040 ss:$0x81] =	vst.msk $0xffff, v4  }
0x40: {  	v6 =	vld [tilespmem:s17+$0xFFFFFFE0];
	[tilespmem:s18+$0x2850 ss:$0x81] =	vst.msk $0xffff, v3  }
0x41: {  	s22 =	sshra.s32 s20, $0x2;
	s20 =	smov.u32 s21;
	v7 =	vld [tilespmem:s17+$0xFFFFFFF0];
	[tilespmem:s18+$0x3060 ss:$0x81] =	vst.msk $0xffff, v2  }
.Ltmp3:
0x42: {  	v4 =	vld [tilespmem:s17+$0x0];
	[tilespmem:s18+$0x0 ss:$0x81] =	vst.msk $0xffff, v0;
	s18 =	sadd.s32 s22, s19;
	(pc) =	sbr.rel @p1 .LBB1_3-.Ltmp3, $4  }
0x43: {  	v3 =	vld [tilespmem:s17+$0x10];
	[tilespmem:s18+$0x3870 ss:$0x81] =	vst.msk $0xffff, v1  }
0x44: {  	[tilespmem:s18+$0x810 ss:$0x81] =	vst.msk $0xffff, v5;
	v2 =	vld [tilespmem:s17+$0x20]  }
0x45: {  	v0 =	vld [tilespmem:s17+$0xFFFFFFC0];
	[tilespmem:s18+$0x1020 ss:$0x81] =	vst.msk $0xffff, v6;
	s17 =	sadd.s32 $0x80, s17  }
0x46: {  	s21 =	sadd.s32 $0x4, s21;
	v1 =	vld [tilespmem:s17+$0x30];
	[tilespmem:s18+$0x1830 ss:$0x81] =	vst.msk $0xffff, v7  }
0x47: {  	s21 =	sshll.u32 s6, $0x7  }
0x48: {  	s22 =	sshll.u32 s8, $0x3;
	p1 =	sgt.s32 s9, $0x3F;
	s27 =	sshra.s32 s9, $0x1F  }
0x49: {  	s20 =	sshra.s32 s20, $0x2;
	s23 =	sand.u32 $0xFFFFFC00, s21;
	s22 =	sand.u32 $0xFFFFFC00, s22  }
0x4a: {  	s30 =	ssub.s32 $0x0, s8;
	s21 =	sand.u32 $0x380, s21;
	s22 =	sadd.s32 s22, s23  }
0x4b: {  	[tilespmem:s18+$0x2040 ss:$0x81] =	vst.msk $0xffff, v4;
	s31 =	sshra.s32 s6, $0x1F;
	s21 =	sor.u32 s21, s22;
	s22 =	smov.u32 s9  }
0x4c: {  	s19 =	sadd.s32 s20, s19;
	[tilespmem:s18+$0x2850 ss:$0x81] =	vst.msk $0xffff, v3;
	s23 =	sand.u32 s27, s9;
	s22 =	simm.s32 @!p1 $0x3F  }
0x4d: {  	v5 =	vld [tilespmem:s17+$0xFFFFFFD0];
	[tilespmem:s18+$0x3060 ss:$0x81] =	vst.msk $0xffff, v2;
	s27 =	smul.u32 $0xFA00, s9;
	s21 =	sshrl.u32 s21, $0x7;
	s22 =	ssub.s32 s22, s23  }
0x4e: {  	v58 =	vld [tilespmem:s17+$0xFFFFFFE0];
	[tilespmem:s18+$0x0 ss:$0x81] =	vst.msk $0xffff, v0;
	s18 =	sand.u32 s31, s6;
	s24 =	smulhi.u32 $0x20C49BB, s21;
	s28 =	sadd.s32 $0xFFFFFFC1, s22  }
0x4f: {  	v59 =	vld [tilespmem:s17+$0xFFFFFFF0];
	s20 =	ssub.s32 $0x40, s22;
	s22 =	smov.u32 s6;
	p1 =	sgt.s32 s28, $0x0  }
0x50: {  	v60 =	vld [tilespmem:s17+$0x0];
	s29 =	sshrl.u32 s24, $0x5;
	s20 =	simm.s32 @p1 $0x0;
	p1 =	sgt.s32 s6, $0xF20  }
0x51: {  	v61 =	vld [tilespmem:s17+$0x10];
	[tilespmem:s19+$0x3870 ss:$0x81] =	vst.msk $0xffff, v1;
	s24 =	smin.u32 s8, s30;
	s28 =	sshrl.u32 s8, $0x3;
	s22 =	simm.s32 @!p1 $0xF20  }
0x52: {  	v62 =	vld [tilespmem:s17+$0x20];
	[tilespmem:s19+$0x810 ss:$0x81] =	vst.msk $0xffff, v5;
	p1 =	sgt.s32 s24, $0x7F;
	s24 =	ssub.s32 $0x80, s24;
	s18 =	ssub.s32 s22, s18  }
0x53: {  	v63 =	vld [tilespmem:s17+$0xFFFFFFC0];
	[tilespmem:s19+$0x1020 ss:$0x81] =	vst.msk $0xffff, v58;
	s23 =	smul.u32 $0xFA0, s29;
	s24 =	simm.s32 @p1 $0x0;
	s26 =	sadd.s32 $0xFFFFF0E0, s18  }
0x54: {  	[tilespmem:s19+$0x1830 ss:$0x81] =	vst.msk $0xffff, v59;
	s25 =	smul.u32 s20, s24;
	s18 =	ssub.s32 $0xFA0, s18;
	p1 =	sgt.s32 s26, $0x7F  }
.Ltmp4:
0x55: {  	[tilespmem:s19+$0x2040 ss:$0x81] =	vst.msk $0xffff, v60;
	s29 =	sand.u32 $0xF, s28;
	s18 =	simm.s32 @p1 $0x0;
	(pc) =	sbr.rel .LBB1_5-.Ltmp4, $4  }
0x56: {  	[tilespmem:s19+$0x2850 ss:$0x81] =	vst.msk $0xffff, v61;
	s21 =	ssub.s32 s21, s23;
	s20 =	sadd.s32 s2, s27;
	s17 =	smul.u32 s18, s25  }
0x57: {  	[tilespmem:s19+$0x3060 ss:$0x81] =	vst.msk $0xffff, v62;
	s30 =	sshll.u32 s21, $0x4;
	s18 =	sadd.s32 s29, s20  }
0x58: {  	s31 =	sand.u32 $0x7, s8;
	[tilespmem:s19+$0x0 ss:$0x81] =	vst.msk $0xffff, v63;
	s18 =	sadd.s32 s30, s18;
	s17 =	sand.u32 $0x3FFFFFFF, s17  }
0x59: {  	[hbm4b:s18+s31] =	stream.linear.scatter [tilespmem:s16], [sflag:$0x2], s17, $0x20;
	[tilespmem:$0x10100] =	vst v63  }
.LBB1_6:
0x5a: {  	_ =	sfence.sel $0x180000  }
0x5b: {  	s2 =	simm.s32 $0x1;
	[bflag:$0x0] =	sbarrier.arrive $0xFFFF  }
0x5c: {  	s31 =	simm.s32 $0x2;
	[sflag:s2] =	ssyncpa.u1 $0x1  }
0x5d: {  	[sflag:s31] =	ssyncpa.u1 $0x1  }
0x5e: {  	p0 =	sne.s32 s1, $0x0;
	_ =	strace $0x9000004A  }
0x5f: {  	s0 =	sadd.s32 @!p0 $0x100000, s0;
	[bflag:$0x2] =	sbarrier.arrive $0xFFFF  }
0x60: {  	[sflag:s0] =	ssyncadd.tile.s32 @!p0 $0x1;
	_ =	shalt  }
.Lfunc_end1:
_tile_overlayer_lowered:
.L_overlay_start_2:
0x61: {  	(tag) =	ssettag $0x2  }
0x62: {  	s0 =	rddreg [dreg:$0x0];
	s2 =	stileid.u32  }
0x63: {  	s1 =	rddreg [dreg:$0x1];
	p0 =	sne.s32 s2, $0x0  }
0x64: {  	s3 =	rddreg [dreg:$0x2];
	[bflag:$0x3] =	sbarrier.arrive $0xFFFF;
	s2 =	simm.s32 @!p0 $0x1C01  }
0x65: {  	[timem:s3], [sflag:s2] =	dma.local @!p0 [hbm:s0], s1  }
0x66: {  	s0 =	simm.s32 @!p0 $0x1  }
0x67: {  	_ =	swait.ge @!p0 [sflag:s0], s1  }
0x68: {  	s1 =	ssub.s32 @!p0 $0x0, s1;
	[sflag:s0] =	ssyncset.done @!p0 $0x0  }
0x69: {  	[sflag:s0] =	ssyncadd.s32 @!p0 s1  }
0x6a: {  	[bflag:$0x3] =	sbarrier.arrive $0xFFFF  }
0x6b: {  	_ =	shalt  }

</sc_bundles>
